<compile_context>
chip_gen: v7x
topology: tpu7x:2x2x1
jax: 0.10.2.dev20260603
libtpu: 0.0.44.dev20260713+nightly
codegen_flags: <defaults>
</compile_context>

<pallas_src>
import functools

import jax
import jax.numpy as jnp
from jax import lax
from jax.experimental import pallas as pl
from jax.experimental.pallas import tpu as pltpu
from jax.experimental.pallas import tpu_sc as plsc

N = 10000
E = 320000
D = 128
F = 192
NS = 16
NC = 2

CHUNK = 24
E_PAD = ((E + NS * CHUNK * 8 - 1) // (NS * CHUNK * 8)) * (NS * CHUNK * 8)
EPT = E_PAD // NS
NCHUNK = EPT // CHUNK
N_ACC = 10016
ZPT = N_ACC // NS
OPT = N // NS

CHUNK_D = 128
E_PAD_D = ((E + NS * CHUNK_D - 1) // (NS * CHUNK_D)) * (NS * CHUNK_D)
NCHUNK_D = E_PAD_D // NS // CHUNK_D
N_ACC_D = 10240
ROWS_PT_D = N_ACC_D // NS

BLK = 1000
DELTA = 0.01

_sc_mesh = plsc.VectorSubcoreMesh(core_axis_name="c", subcore_axis_name="s")



def _sc_spmm_body(ec_hbm, y0_hbm, y1_hbm, zero_hbm,
                  out0, out1,
                  ib0, ib1, ib2, ib3, ib4, ib5, ib6, ib7,
                  gb0, gb1, gb2, gb3,
                  y_sp, acc,
                  si0, si1, si2, si3, si4, si5, si6, si7,
                  sg0, sg1, sg2, sg3, ss0, ss1, ss2, ss3):
    c = lax.axis_index("c")
    s = lax.axis_index("s")
    ibufs = (ib0, ib1, ib2, ib3, ib4, ib5, ib6, ib7)
    sis = (si0, si1, si2, si3, si4, si5, si6, si7)
    gbufs = (gb0, gb1, gb2, gb3)
    sgs = (sg0, sg1, sg2, sg3)
    sss = (ss0, ss1, ss2, ss3)
    niter = NCHUNK // 8

    pltpu.async_copy(zero_hbm, acc.at[pl.ds(s * ZPT, ZPT)], ss0)

    @pl.when(c == 0)
    def _():
        pltpu.async_copy(y0_hbm.at[pl.ds(s * OPT, OPT)],
                         y_sp.at[pl.ds(s * OPT, OPT)], ss1)

    @pl.when(c == 1)
    def _():
        pltpu.async_copy(y1_hbm.at[pl.ds(s * OPT, OPT)],
                         y_sp.at[pl.ds(s * OPT, OPT)], ss1)

    pltpu.make_async_copy(zero_hbm, acc.at[pl.ds(s * ZPT, ZPT)], ss0).wait()
    pltpu.make_async_copy(y0_hbm.at[pl.ds(s * OPT, OPT)],
                          y_sp.at[pl.ds(s * OPT, OPT)], ss1).wait()

    plsc.subcore_barrier()

    def run():
        for q in range(6):
            pltpu.async_copy(ec_hbm.at[s, q], ibufs[q], sis[q])
        for k0 in range(3):
            pltpu.make_async_copy(
                ec_hbm.at[s, k0], ibufs[k0], sis[k0]).wait()
            pltpu.async_copy(
                y_sp.at[ibufs[k0].at[0]], gbufs[k0], sgs[k0])

        def body(i, carry):
            for j8 in range(8):
                k = 8 * i + j8
                g = j8 % 4
                gp = (j8 + 3) % 4
                qp = (j8 + 7) % 8
                g3 = (j8 + 3) % 4
                q3 = (j8 + 3) % 8
                q6 = (j8 + 6) % 8
                pltpu.make_async_copy(
                    y_sp.at[ibufs[j8].at[0]], gbufs[g], sgs[g]).wait()
                pltpu.async_copy(
                    gbufs[g], acc.at[ibufs[j8].at[1]], sss[g], add=True)

                def drain_prev():
                    pltpu.make_async_copy(
                        gbufs[gp], acc.at[ibufs[qp].at[1]], sss[gp]).wait()

                if j8 == 0:
                    @pl.when(i >= 1)
                    def _():
                        drain_prev()
                else:
                    drain_prev()

                def issue_gather3():
                    pltpu.make_async_copy(
                        ec_hbm.at[s, k + 3], ibufs[q3], sis[q3]).wait()
                    pltpu.async_copy(
                        y_sp.at[ibufs[q3].at[0]], gbufs[g3], sgs[g3])

                if j8 < 5:
                    issue_gather3()
                else:
                    @pl.when(k + 3 < NCHUNK)
                    def _():
                        issue_gather3()

                if j8 < 2:
                    pltpu.async_copy(ec_hbm.at[s, k + 6], ibufs[q6], sis[q6])
                else:
                    @pl.when(k + 6 < NCHUNK)
                    def _():
                        pltpu.async_copy(
                            ec_hbm.at[s, k + 6], ibufs[q6], sis[q6])
            return carry

        lax.fori_loop(0, niter, body, 0)
        pltpu.make_async_copy(
            gbufs[(NCHUNK - 1) % 4],
            acc.at[ibufs[(NCHUNK - 1) % 8].at[1]],
            sss[(NCHUNK - 1) % 4]).wait()

    run()

    plsc.subcore_barrier()

    @pl.when(c == 0)
    def _():
        pltpu.sync_copy(acc.at[pl.ds(s * OPT, OPT)],
                        out0.at[pl.ds(s * OPT, OPT)])

    @pl.when(c == 1)
    def _():
        pltpu.sync_copy(acc.at[pl.ds(s * OPT, OPT)],
                        out1.at[pl.ds(s * OPT, OPT)])


_sc_spmm = pl.kernel(
    _sc_spmm_body,
    mesh=_sc_mesh,
    compiler_params=pltpu.CompilerParams(use_tc_tiling_on_sc=False),
    out_type=[jax.ShapeDtypeStruct((N, F), jnp.bfloat16)] * 2,
    scratch_types=[pltpu.VMEM((2, CHUNK), jnp.int32)] * 8
    + [pltpu.VMEM((CHUNK, F), jnp.bfloat16)] * 4
    + [
        pltpu.VMEM_SHARED((N, F), jnp.bfloat16),
        pltpu.VMEM_SHARED((N_ACC, F), jnp.bfloat16),
    ]
    + [pltpu.SemaphoreType.DMA] * 16,
)



def _sc_deg_body(row_hbm, ones_hbm, zero_hbm, out_deg,
                 rowbuf, onesbuf, acc):
    c = lax.axis_index("c")
    s = lax.axis_index("s")

    pltpu.sync_copy(zero_hbm, acc.at[pl.ds(s * ROWS_PT_D, ROWS_PT_D)])
    pltpu.sync_copy(row_hbm.at[s], rowbuf)
    pltpu.sync_copy(ones_hbm, onesbuf)
    plsc.subcore_barrier()

    def body(k, carry):
        pltpu.sync_copy(onesbuf, acc.at[rowbuf.at[k]], add=True)
        return carry
    lax.fori_loop(0, NCHUNK_D, body, 0)

    plsc.subcore_barrier()

    @pl.when(c == 0)
    def _():
        pltpu.sync_copy(acc.at[pl.ds(s * ROWS_PT_D, ROWS_PT_D)],
                        out_deg.at[pl.ds(s * ROWS_PT_D, ROWS_PT_D)])


_sc_deg = pl.kernel(
    _sc_deg_body,
    mesh=_sc_mesh,
    compiler_params=pltpu.CompilerParams(use_tc_tiling_on_sc=False),
    out_type=jax.ShapeDtypeStruct((N_ACC_D, 16), jnp.float32),
    scratch_types=[
        pltpu.VMEM((NCHUNK_D, CHUNK_D), jnp.int32),
        pltpu.VMEM((CHUNK_D, 16), jnp.float32),
        pltpu.VMEM_SHARED((N_ACC_D, 16), jnp.float32),
    ],
)



def _tc_init_body(x_ref, y0_ref, y1_ref):
    x = x_ref[...]
    y0_ref[...] = jnp.concatenate(
        [jnp.cos(x), x[:, :64]], axis=1).astype(jnp.bfloat16)
    y1_ref[...] = jnp.concatenate(
        [jnp.sin(x), x[:, 64:]], axis=1).astype(jnp.bfloat16)


_tc_init = pl.pallas_call(
    _tc_init_body,
    grid=(N // BLK,),
    in_specs=[pl.BlockSpec((BLK, D), lambda i: (i, 0))],
    out_specs=[pl.BlockSpec((BLK, F), lambda i: (i, 0))] * 2,
    out_shape=[jax.ShapeDtypeStruct((N, F), jnp.bfloat16)] * 2,
)


def _tc_update_body(x_ref, orig_ref, s0_ref, s1_ref, deg_ref,
                    xo_ref, y0_ref, y1_ref):
    x = x_ref[...]
    deg = deg_ref[:, 0:1]
    ndinv = jnp.where(deg > 0, -1.0 / deg, 0.0)
    s0 = s0_ref[...].astype(jnp.float32)
    s1 = s1_ref[...].astype(jnp.float32)
    off_c = ndinv * s0[:, :D]
    off_s = ndinv * s1[:, :D]
    off_x = ndinv * jnp.concatenate([s0[:, D:], s1[:, D:]], axis=1)
    r = jnp.sqrt(off_c * off_c + off_s * off_s)
    xn = x + DELTA * (orig_ref[...] + r * jnp.sin(-(x + off_x)))
    xo_ref[...] = xn
    y0_ref[...] = jnp.concatenate(
        [jnp.cos(xn), xn[:, :64]], axis=1).astype(jnp.bfloat16)
    y1_ref[...] = jnp.concatenate(
        [jnp.sin(xn), xn[:, 64:]], axis=1).astype(jnp.bfloat16)


_tc_update = pl.pallas_call(
    _tc_update_body,
    grid=(N // BLK,),
    in_specs=[
        pl.BlockSpec((BLK, D), lambda i: (i, 0)),
        pl.BlockSpec((BLK, D), lambda i: (i, 0)),
        pl.BlockSpec((BLK, F), lambda i: (i, 0)),
        pl.BlockSpec((BLK, F), lambda i: (i, 0)),
        pl.BlockSpec((BLK, 16), lambda i: (i, 0)),
    ],
    out_specs=[
        pl.BlockSpec((BLK, D), lambda i: (i, 0)),
        pl.BlockSpec((BLK, F), lambda i: (i, 0)),
        pl.BlockSpec((BLK, F), lambda i: (i, 0)),
    ],
    out_shape=[
        jax.ShapeDtypeStruct((N, D), jnp.float32),
        jax.ShapeDtypeStruct((N, F), jnp.bfloat16),
        jax.ShapeDtypeStruct((N, F), jnp.bfloat16),
    ],
)


def _tc_head_body(x_ref, w_ref, b_ref, o_ref):
    xr = jnp.maximum(x_ref[...], 0.0)
    y = jnp.dot(xr, w_ref[...], preferred_element_type=jnp.float32) + b_ref[...]
    o_ref[...] = jax.nn.sigmoid(y)


_tc_head = pl.pallas_call(
    _tc_head_body,
    grid=(N // BLK,),
    in_specs=[
        pl.BlockSpec((BLK, D), lambda i: (i, 0)),
        pl.BlockSpec((D, 16), lambda i: (0, 0)),
        pl.BlockSpec((1, 16), lambda i: (0, 0)),
    ],
    out_specs=pl.BlockSpec((BLK, 16), lambda i: (i, 0)),
    out_shape=jax.ShapeDtypeStruct((N, 16), jnp.float32),
)



def kernel(edge_index, embed, W2, b2):
    row = edge_index[0].astype(jnp.int32)
    col = edge_index[1].astype(jnp.int32)

    pad = E_PAD - E
    row_p = jnp.concatenate([row, jnp.full((pad,), N, jnp.int32)])
    col_p = jnp.concatenate([col, jnp.zeros((pad,), jnp.int32)])
    ec = jnp.stack([col_p.reshape(NS, NCHUNK, CHUNK),
                    row_p.reshape(NS, NCHUNK, CHUNK)], axis=2)

    pad_d = E_PAD_D - E
    row_d = jnp.concatenate(
        [row, jnp.full((pad_d,), N, jnp.int32)]).reshape(NS, NCHUNK_D, CHUNK_D)

    zero_f = jnp.zeros((ZPT, F), jnp.bfloat16)
    zero_16 = jnp.zeros((ROWS_PT_D, 16), jnp.float32)
    ones_16 = jnp.ones((CHUNK_D, 16), jnp.float32)

    deg16 = _sc_deg(row_d, ones_16, zero_16)

    y0, y1 = _tc_init(embed)

    def body(_, carry):
        x, y0, y1 = carry
        s0, s1 = _sc_spmm(ec, y0, y1, zero_f)
        x, y0, y1 = _tc_update(x, embed, s0, s1, deg16)
        return (x, y0, y1)

    x, y0, y1 = lax.fori_loop(0, 20, body, (embed, y0, y1))

    out = _tc_head(x, W2, b2.reshape(1, 16))
    return (out, x)

# --- scband reference (transcript-rebuilt; emitter-appended) ---
"""Pipeline reference for scband-gcn2-64699387347696 (READ-ONLY COPY).

The authoritative reference and input builder live on the scoring server;
editing this copy changes nothing except your own understanding.
"""

import jax, jax.numpy as jnp
import numpy as np

N_NODES = 10000
N_EDGES = 320000
EMBED = 128
NUM_CLASSES = 16


def setup_inputs(seed: int = 0) -> dict:
    key = jax.random.key(seed)
    k1, k2, k3, k4 = jax.random.split(key, 4)
    edge_index = jax.random.randint(k1, (2, N_EDGES), 0, N_NODES, dtype=jnp.int64 if jax.config.jax_enable_x64 else jnp.int32).astype(jnp.int32)
    embed = jax.random.normal(k2, (N_NODES, EMBED), dtype=jnp.float32)
    W2 = jax.random.normal(k3, (EMBED, NUM_CLASSES), dtype=jnp.float32) * (1.0 / np.sqrt(EMBED))
    b2 = jax.random.normal(k4, (NUM_CLASSES,), dtype=jnp.float32) * 0.01
    return {"edge_index": edge_index, "embed": embed, "W2": W2, "b2": b2}


def reference(edge_index, embed, W2, b2):
    # get_laplacian(edge_index, None, normalization='rw'): L = I - D^{-1} A
    # represented as off-diagonal edges (row, col) with weight -deg_inv[row]
    # plus self-loop entries with weight 1.
    N = embed.shape[0]
    row = edge_index[0]
    col = edge_index[1]
    w = jnp.ones((row.shape[0],), dtype=jnp.float32)
    deg = jnp.zeros((N,), dtype=jnp.float32).at[row].add(w)
    deg_inv = jnp.where(deg > 0, 1.0 / deg, 0.0)
    lap_w = -deg_inv[row] * w  # off-diagonal Laplacian weights

    def spmm_lap(X):
        # L @ X = I @ X + scatter-add of off-diagonal part
        off = jnp.zeros_like(X).at[row].add(lap_w[:, None] * X[col])
        return X + off

    delta = 0.01
    K = 1.0
    new_x = embed
    orig = new_x
    for _ in range(20):
        cos_R = spmm_lap(jnp.cos(new_x))
        sin_R = spmm_lap(jnp.sin(new_x))
        phi = spmm_lap(new_x)
        R = jnp.sqrt((jnp.cos(new_x) - cos_R) ** 2 + (jnp.sin(new_x) - sin_R) ** 2)
        out_phi = -phi
        out_hat = K * R * jnp.sin(out_phi)
        new_x = new_x + delta * (orig + out_hat)
    x = jnp.maximum(new_x, 0.0) @ W2 + b2
    x = jax.nn.sigmoid(x)
    return (x, new_x)

if __name__ == "__main__":
    import jax
    _d = setup_inputs()
    print(jax.jit(kernel)(*tuple(_d.values())))

</pallas_src>

<mosaic_0001>
#map = affine_map<(d0, d1) -> (0, 0, 0, 0)>
#map1 = affine_map<(d0, d1) -> (0, 0)>
module attributes {stable_mosaic.version = 14 : i64} {
  func.func @_sc_spmm_body(%arg0: i32, %arg1: i32, %arg2: memref<16x840x2x24xi32, #tpu.memory_space<hbm>>, %arg3: memref<10000x192xbf16, #tpu.memory_space<hbm>>, %arg4: memref<10000x192xbf16, #tpu.memory_space<hbm>>, %arg5: memref<626x192xbf16, #tpu.memory_space<hbm>>, %arg6: memref<10000x192xbf16, #tpu.memory_space<hbm>>, %arg7: memref<10000x192xbf16, #tpu.memory_space<hbm>>, %arg8: memref<2x24xi32, #tpu.memory_space<vmem>>, %arg9: memref<2x24xi32, #tpu.memory_space<vmem>>, %arg10: memref<2x24xi32, #tpu.memory_space<vmem>>, %arg11: memref<2x24xi32, #tpu.memory_space<vmem>>, %arg12: memref<2x24xi32, #tpu.memory_space<vmem>>, %arg13: memref<2x24xi32, #tpu.memory_space<vmem>>, %arg14: memref<2x24xi32, #tpu.memory_space<vmem>>, %arg15: memref<2x24xi32, #tpu.memory_space<vmem>>, %arg16: memref<24x192xbf16, #tpu.memory_space<vmem>>, %arg17: memref<24x192xbf16, #tpu.memory_space<vmem>>, %arg18: memref<24x192xbf16, #tpu.memory_space<vmem>>, %arg19: memref<24x192xbf16, #tpu.memory_space<vmem>>, %arg20: memref<10000x192xbf16, #tpu.memory_space<vmem_shared>>, %arg21: memref<10016x192xbf16, #tpu.memory_space<vmem_shared>>, %arg22: memref<!tpu.dma_semaphore, #tpu.memory_space<semaphore_mem>>, %arg23: memref<!tpu.dma_semaphore, #tpu.memory_space<semaphore_mem>>, %arg24: memref<!tpu.dma_semaphore, #tpu.memory_space<semaphore_mem>>, %arg25: memref<!tpu.dma_semaphore, #tpu.memory_space<semaphore_mem>>, %arg26: memref<!tpu.dma_semaphore, #tpu.memory_space<semaphore_mem>>, %arg27: memref<!tpu.dma_semaphore, #tpu.memory_space<semaphore_mem>>, %arg28: memref<!tpu.dma_semaphore, #tpu.memory_space<semaphore_mem>>, %arg29: memref<!tpu.dma_semaphore, #tpu.memory_space<semaphore_mem>>, %arg30: memref<!tpu.dma_semaphore, #tpu.memory_space<semaphore_mem>>, %arg31: memref<!tpu.dma_semaphore, #tpu.memory_space<semaphore_mem>>, %arg32: memref<!tpu.dma_semaphore, #tpu.memory_space<semaphore_mem>>, %arg33: memref<!tpu.dma_semaphore, #tpu.memory_space<semaphore_mem>>, %arg34: memref<!tpu.dma_semaphore, #tpu.memory_space<semaphore_mem>>, %arg35: memref<!tpu.dma_semaphore, #tpu.memory_space<semaphore_mem>>, %arg36: memref<!tpu.dma_semaphore, #tpu.memory_space<semaphore_mem>>, %arg37: memref<!tpu.dma_semaphore, #tpu.memory_space<semaphore_mem>>) attributes {dimension_semantics = [#tpu.dimension_semantics<core_parallel>, #tpu.dimension_semantics<subcore_parallel>], iteration_bounds = array<i64: 2, 16>, scalar_prefetch = 0 : i64, scratch_operands = 30 : i64, tpu.core_type = #tpu.core_type<sc_vector_subcore>, window_params = [{transform_indices = #map}, {transform_indices = #map1}, {transform_indices = #map1}, {transform_indices = #map1}, {transform_indices = #map1}, {transform_indices = #map1}]} {
    %mul3A = arith.constant 626 : i32
    %mul3A_0 = arith.muli %arg1, %mul3A : i32
    %dma_start3A = arith.constant 0 : i32
    %dma_start3A_1 = tpu.memref_slice %arg21[%mul3A_0, %dma_start3A] : memref<10016x192xbf16, #tpu.memory_space<vmem_shared>> -> memref<626x192xbf16, #tpu.memory_space<vmem_shared>>
    tpu.enqueue_dma source(%arg5 : memref<626x192xbf16, #tpu.memory_space<hbm>>) target(%dma_start3A_1 : memref<626x192xbf16, #tpu.memory_space<vmem_shared>>) target_semaphore(%arg34 : memref<!tpu.dma_semaphore, #tpu.memory_space<semaphore_mem>>)
    %eq3A = arith.constant 0 : i32
    %eq3A_2 = arith.cmpi eq, %arg0, %eq3A : i32
    %convert_element_type3A = arith.extui %eq3A_2 : i1 to i32
    %cond3A = arith.constant 0 : i32
    %cond3A_3 = arith.cmpi ne, %convert_element_type3A, %cond3A : i32
    scf.if %cond3A_3 {
      %mul3A_145 = arith.constant 625 : i32
      %mul3A_146 = arith.muli %arg1, %mul3A_145 : i32
      %mul3A_147 = arith.constant 625 : i32
      %mul3A_148 = arith.muli %arg1, %mul3A_147 : i32
      %dma_start3A_149 = arith.constant 0 : i32
      %dma_start3A_150 = tpu.memref_slice %arg20[%mul3A_148, %dma_start3A_149] : memref<10000x192xbf16, #tpu.memory_space<vmem_shared>> -> memref<625x192xbf16, #tpu.memory_space<vmem_shared>>
      %dma_start3A_151 = arith.constant 0 : i32
      %dma_start3A_152 = tpu.memref_slice %arg3[%mul3A_146, %dma_start3A_151] : memref<10000x192xbf16, #tpu.memory_space<hbm>> -> memref<625x192xbf16, #tpu.memory_space<hbm>>
      tpu.enqueue_dma source(%dma_start3A_152 : memref<625x192xbf16, #tpu.memory_space<hbm>>) target(%dma_start3A_150 : memref<625x192xbf16, #tpu.memory_space<vmem_shared>>) target_semaphore(%arg35 : memref<!tpu.dma_semaphore, #tpu.memory_space<semaphore_mem>>)
    } else {
    }
    %eq3A_4 = arith.constant 1 : i32
    %eq3A_5 = arith.cmpi eq, %arg0, %eq3A_4 : i32
    %convert_element_type3A_6 = arith.extui %eq3A_5 : i1 to i32
    %cond3A_7 = arith.constant 0 : i32
    %cond3A_8 = arith.cmpi ne, %convert_element_type3A_6, %cond3A_7 : i32
    scf.if %cond3A_8 {
      %mul3A_145 = arith.constant 625 : i32
      %mul3A_146 = arith.muli %arg1, %mul3A_145 : i32
      %mul3A_147 = arith.constant 625 : i32
      %mul3A_148 = arith.muli %arg1, %mul3A_147 : i32
      %dma_start3A_149 = arith.constant 0 : i32
      %dma_start3A_150 = tpu.memref_slice %arg20[%mul3A_148, %dma_start3A_149] : memref<10000x192xbf16, #tpu.memory_space<vmem_shared>> -> memref<625x192xbf16, #tpu.memory_space<vmem_shared>>
      %dma_start3A_151 = arith.constant 0 : i32
      %dma_start3A_152 = tpu.memref_slice %arg4[%mul3A_146, %dma_start3A_151] : memref<10000x192xbf16, #tpu.memory_space<hbm>> -> memref<625x192xbf16, #tpu.memory_space<hbm>>
      tpu.enqueue_dma source(%dma_start3A_152 : memref<625x192xbf16, #tpu.memory_space<hbm>>) target(%dma_start3A_150 : memref<625x192xbf16, #tpu.memory_space<vmem_shared>>) target_semaphore(%arg35 : memref<!tpu.dma_semaphore, #tpu.memory_space<semaphore_mem>>)
    } else {
    }
    %mul3A_9 = arith.constant 626 : i32
    %mul3A_10 = arith.muli %arg1, %mul3A_9 : i32
    %dma_wait3A = arith.constant 0 : i32
    %dma_wait3A_11 = tpu.memref_slice %arg21[%mul3A_10, %dma_wait3A] : memref<10016x192xbf16, #tpu.memory_space<vmem_shared>> -> memref<626x192xbf16, #tpu.memory_space<vmem_shared>>
    tpu.wait_dma2 semaphore(%arg34 : memref<!tpu.dma_semaphore, #tpu.memory_space<semaphore_mem>>) src(%arg5 : memref<626x192xbf16, #tpu.memory_space<hbm>>) dst(%dma_wait3A_11 : memref<626x192xbf16, #tpu.memory_space<vmem_shared>>)
    %mul3A_12 = arith.constant 625 : i32
    %mul3A_13 = arith.muli %arg1, %mul3A_12 : i32
    %mul3A_14 = arith.constant 625 : i32
    %mul3A_15 = arith.muli %arg1, %mul3A_14 : i32
    %dma_wait3A_16 = arith.constant 0 : i32
    %dma_wait3A_17 = tpu.memref_slice %arg20[%mul3A_15, %dma_wait3A_16] : memref<10000x192xbf16, #tpu.memory_space<vmem_shared>> -> memref<625x192xbf16, #tpu.memory_space<vmem_shared>>
    %dma_wait3A_18 = arith.constant 0 : i32
    %dma_wait3A_19 = tpu.memref_slice %arg3[%mul3A_13, %dma_wait3A_18] : memref<10000x192xbf16, #tpu.memory_space<hbm>> -> memref<625x192xbf16, #tpu.memory_space<hbm>>
    tpu.wait_dma2 semaphore(%arg35 : memref<!tpu.dma_semaphore, #tpu.memory_space<semaphore_mem>>) src(%dma_wait3A_19 : memref<625x192xbf16, #tpu.memory_space<hbm>>) dst(%dma_wait3A_17 : memref<625x192xbf16, #tpu.memory_space<vmem_shared>>)
    %barrier3A = arith.constant 0 : index
    tpu.barrier barrier_id(%barrier3A)
    %dma_start3A_20 = arith.constant 0 : i32
    %dma_start3A_21 = arith.constant 0 : i32
    %dma_start3A_22 = arith.constant 0 : i32
    %dma_start3A_23 = tpu.memref_slice %arg2[%arg1, %dma_start3A_20, %dma_start3A_21, %dma_start3A_22] : memref<16x840x2x24xi32, #tpu.memory_space<hbm>> -> memref<1x1x2x24xi32, #tpu.memory_space<hbm>>
    %dma_start3A_24 = tpu.memref_squeeze %dma_start3A_23 : memref<1x1x2x24xi32, #tpu.memory_space<hbm>> -> memref<2x24xi32, #tpu.memory_space<hbm>>
    %dma_start3A_25 = arith.constant 0 : i32
    %dma_start3A_26 = arith.constant 0 : i32
    %dma_start3A_27 = tpu.memref_slice %arg2[%arg1, %dma_start3A_20, %dma_start3A_25, %dma_start3A_26] : memref<16x840x2x24xi32, #tpu.memory_space<hbm>> -> memref<1x1x2x24xi32, #tpu.memory_space<hbm>>
    %dma_start3A_28 = tpu.memref_squeeze %dma_start3A_27 : memref<1x1x2x24xi32, #tpu.memory_space<hbm>> -> memref<2x24xi32, #tpu.memory_space<hbm>>
    tpu.enqueue_dma source(%dma_start3A_28 : memref<2x24xi32, #tpu.memory_space<hbm>>) target(%arg8 : memref<2x24xi32, #tpu.memory_space<vmem>>) target_semaphore(%arg22 : memref<!tpu.dma_semaphore, #tpu.memory_space<semaphore_mem>>)
    %dma_start3A_29 = arith.constant 1 : i32
    %dma_start3A_30 = arith.constant 0 : i32
    %dma_start3A_31 = arith.constant 0 : i32
    %dma_start3A_32 = tpu.memref_slice %arg2[%arg1, %dma_start3A_29, %dma_start3A_30, %dma_start3A_31] : memref<16x840x2x24xi32, #tpu.memory_space<hbm>> -> memref<1x1x2x24xi32, #tpu.memory_space<hbm>>
    %dma_start3A_33 = tpu.memref_squeeze %dma_start3A_32 : memref<1x1x2x24xi32, #tpu.memory_space<hbm>> -> memref<2x24xi32, #tpu.memory_space<hbm>>
    %dma_start3A_34 = arith.constant 0 : i32
    %dma_start3A_35 = arith.constant 0 : i32
    %dma_start3A_36 = tpu.memref_slice %arg2[%arg1, %dma_start3A_29, %dma_start3A_34, %dma_start3A_35] : memref<16x840x2x24xi32, #tpu.memory_space<hbm>> -> memref<1x1x2x24xi32, #tpu.memory_space<hbm>>
    %dma_start3A_37 = tpu.memref_squeeze %dma_start3A_36 : memref<1x1x2x24xi32, #tpu.memory_space<hbm>> -> memref<2x24xi32, #tpu.memory_space<hbm>>
    tpu.enqueue_dma source(%dma_start3A_37 : memref<2x24xi32, #tpu.memory_space<hbm>>) target(%arg9 : memref<2x24xi32, #tpu.memory_space<vmem>>) target_semaphore(%arg23 : memref<!tpu.dma_semaphore, #tpu.memory_space<semaphore_mem>>)
    %dma_start3A_38 = arith.constant 2 : i32
    %dma_start3A_39 = arith.constant 0 : i32
    %dma_start3A_40 = arith.constant 0 : i32
    %dma_start3A_41 = tpu.memref_slice %arg2[%arg1, %dma_start3A_38, %dma_start3A_39, %dma_start3A_40] : memref<16x840x2x24xi32, #tpu.memory_space<hbm>> -> memref<1x1x2x24xi32, #tpu.memory_space<hbm>>
    %dma_start3A_42 = tpu.memref_squeeze %dma_start3A_41 : memref<1x1x2x24xi32, #tpu.memory_space<hbm>> -> memref<2x24xi32, #tpu.memory_space<hbm>>
    %dma_start3A_43 = arith.constant 0 : i32
    %dma_start3A_44 = arith.constant 0 : i32
    %dma_start3A_45 = tpu.memref_slice %arg2[%arg1, %dma_start3A_38, %dma_start3A_43, %dma_start3A_44] : memref<16x840x2x24xi32, #tpu.memory_space<hbm>> -> memref<1x1x2x24xi32, #tpu.memory_space<hbm>>
    %dma_start3A_46 = tpu.memref_squeeze %dma_start3A_45 : memref<1x1x2x24xi32, #tpu.memory_space<hbm>> -> memref<2x24xi32, #tpu.memory_space<hbm>>
    tpu.enqueue_dma source(%dma_start3A_46 : memref<2x24xi32, #tpu.memory_space<hbm>>) target(%arg10 : memref<2x24xi32, #tpu.memory_space<vmem>>) target_semaphore(%arg24 : memref<!tpu.dma_semaphore, #tpu.memory_space<semaphore_mem>>)
    %dma_start3A_47 = arith.constant 3 : i32
    %dma_start3A_48 = arith.constant 0 : i32
    %dma_start3A_49 = arith.constant 0 : i32
    %dma_start3A_50 = tpu.memref_slice %arg2[%arg1, %dma_start3A_47, %dma_start3A_48, %dma_start3A_49] : memref<16x840x2x24xi32, #tpu.memory_space<hbm>> -> memref<1x1x2x24xi32, #tpu.memory_space<hbm>>
    %dma_start3A_51 = tpu.memref_squeeze %dma_start3A_50 : memref<1x1x2x24xi32, #tpu.memory_space<hbm>> -> memref<2x24xi32, #tpu.memory_space<hbm>>
    %dma_start3A_52 = arith.constant 0 : i32
    %dma_start3A_53 = arith.constant 0 : i32
    %dma_start3A_54 = tpu.memref_slice %arg2[%arg1, %dma_start3A_47, %dma_start3A_52, %dma_start3A_53] : memref<16x840x2x24xi32, #tpu.memory_space<hbm>> -> memref<1x1x2x24xi32, #tpu.memory_space<hbm>>
    %dma_start3A_55 = tpu.memref_squeeze %dma_start3A_54 : memref<1x1x2x24xi32, #tpu.memory_space<hbm>> -> memref<2x24xi32, #tpu.memory_space<hbm>>
    tpu.enqueue_dma source(%dma_start3A_55 : memref<2x24xi32, #tpu.memory_space<hbm>>) target(%arg11 : memref<2x24xi32, #tpu.memory_space<vmem>>) target_semaphore(%arg25 : memref<!tpu.dma_semaphore, #tpu.memory_space<semaphore_mem>>)
    %dma_start3A_56 = arith.constant 4 : i32
    %dma_start3A_57 = arith.constant 0 : i32
    %dma_start3A_58 = arith.constant 0 : i32
    %dma_start3A_59 = tpu.memref_slice %arg2[%arg1, %dma_start3A_56, %dma_start3A_57, %dma_start3A_58] : memref<16x840x2x24xi32, #tpu.memory_space<hbm>> -> memref<1x1x2x24xi32, #tpu.memory_space<hbm>>
    %dma_start3A_60 = tpu.memref_squeeze %dma_start3A_59 : memref<1x1x2x24xi32, #tpu.memory_space<hbm>> -> memref<2x24xi32, #tpu.memory_space<hbm>>
    %dma_start3A_61 = arith.constant 0 : i32
    %dma_start3A_62 = arith.constant 0 : i32
    %dma_start3A_63 = tpu.memref_slice %arg2[%arg1, %dma_start3A_56, %dma_start3A_61, %dma_start3A_62] : memref<16x840x2x24xi32, #tpu.memory_space<hbm>> -> memref<1x1x2x24xi32, #tpu.memory_space<hbm>>
    %dma_start3A_64 = tpu.memref_squeeze %dma_start3A_63 : memref<1x1x2x24xi32, #tpu.memory_space<hbm>> -> memref<2x24xi32, #tpu.memory_space<hbm>>
    tpu.enqueue_dma source(%dma_start3A_64 : memref<2x24xi32, #tpu.memory_space<hbm>>) target(%arg12 : memref<2x24xi32, #tpu.memory_space<vmem>>) target_semaphore(%arg26 : memref<!tpu.dma_semaphore, #tpu.memory_space<semaphore_mem>>)
    %dma_start3A_65 = arith.constant 5 : i32
    %dma_start3A_66 = arith.constant 0 : i32
    %dma_start3A_67 = arith.constant 0 : i32
    %dma_start3A_68 = tpu.memref_slice %arg2[%arg1, %dma_start3A_65, %dma_start3A_66, %dma_start3A_67] : memref<16x840x2x24xi32, #tpu.memory_space<hbm>> -> memref<1x1x2x24xi32, #tpu.memory_space<hbm>>
    %dma_start3A_69 = tpu.memref_squeeze %dma_start3A_68 : memref<1x1x2x24xi32, #tpu.memory_space<hbm>> -> memref<2x24xi32, #tpu.memory_space<hbm>>
    %dma_start3A_70 = arith.constant 0 : i32
    %dma_start3A_71 = arith.constant 0 : i32
    %dma_start3A_72 = tpu.memref_slice %arg2[%arg1, %dma_start3A_65, %dma_start3A_70, %dma_start3A_71] : memref<16x840x2x24xi32, #tpu.memory_space<hbm>> -> memref<1x1x2x24xi32, #tpu.memory_space<hbm>>
    %dma_start3A_73 = tpu.memref_squeeze %dma_start3A_72 : memref<1x1x2x24xi32, #tpu.memory_space<hbm>> -> memref<2x24xi32, #tpu.memory_space<hbm>>
    tpu.enqueue_dma source(%dma_start3A_73 : memref<2x24xi32, #tpu.memory_space<hbm>>) target(%arg13 : memref<2x24xi32, #tpu.memory_space<vmem>>) target_semaphore(%arg27 : memref<!tpu.dma_semaphore, #tpu.memory_space<semaphore_mem>>)
    %dma_wait3A_74 = arith.constant 0 : i32
    %dma_wait3A_75 = arith.constant 0 : i32
    %dma_wait3A_76 = arith.constant 0 : i32
    %dma_wait3A_77 = tpu.memref_slice %arg2[%arg1, %dma_wait3A_74, %dma_wait3A_75, %dma_wait3A_76] : memref<16x840x2x24xi32, #tpu.memory_space<hbm>> -> memref<1x1x2x24xi32, #tpu.memory_space<hbm>>
    %dma_wait3A_78 = tpu.memref_squeeze %dma_wait3A_77 : memref<1x1x2x24xi32, #tpu.memory_space<hbm>> -> memref<2x24xi32, #tpu.memory_space<hbm>>
    %dma_wait3A_79 = arith.constant 0 : i32
    %dma_wait3A_80 = arith.constant 0 : i32
    %dma_wait3A_81 = tpu.memref_slice %arg2[%arg1, %dma_wait3A_74, %dma_wait3A_79, %dma_wait3A_80] : memref<16x840x2x24xi32, #tpu.memory_space<hbm>> -> memref<1x1x2x24xi32, #tpu.memory_space<hbm>>
    %dma_wait3A_82 = tpu.memref_squeeze %dma_wait3A_81 : memref<1x1x2x24xi32, #tpu.memory_space<hbm>> -> memref<2x24xi32, #tpu.memory_space<hbm>>
    tpu.wait_dma2 semaphore(%arg22 : memref<!tpu.dma_semaphore, #tpu.memory_space<semaphore_mem>>) src(%dma_wait3A_82 : memref<2x24xi32, #tpu.memory_space<hbm>>) dst(%arg8 : memref<2x24xi32, #tpu.memory_space<vmem>>)
    %dma_start3A_83 = arith.constant 0 : i32
    %dma_start3A_84 = arith.constant 0 : i32
    %dma_start3A_85 = tpu.memref_slice %arg8[%dma_start3A_83, %dma_start3A_84] : memref<2x24xi32, #tpu.memory_space<vmem>> -> memref<1x24xi32, #tpu.memory_space<vmem>>
    %dma_start3A_86 = tpu.memref_squeeze %dma_start3A_85 : memref<1x24xi32, #tpu.memory_space<vmem>> -> memref<24xi32, #tpu.memory_space<vmem>>
    %dma_start3A_87 = arith.constant 0 : i32
    %dma_start3A_88 = arith.constant 0 : i32
    %dma_start3A_89 = tpu.memref_slice %arg20[%dma_start3A_87, %dma_start3A_88] : memref<10000x192xbf16, #tpu.memory_space<vmem_shared>> -> memref<10000x192xbf16, #tpu.memory_space<vmem_shared>>
    tpu.enqueue_indirect_dma source(%dma_start3A_89 : memref<10000x192xbf16, #tpu.memory_space<vmem_shared>>) target(%arg16 : memref<24x192xbf16, #tpu.memory_space<vmem>>) offsets(%dma_start3A_86 : memref<24xi32, #tpu.memory_space<vmem>>) semaphore(%arg30 : memref<!tpu.dma_semaphore, #tpu.memory_space<semaphore_mem>>)
    %dma_wait3A_90 = arith.constant 1 : i32
    %dma_wait3A_91 = arith.constant 0 : i32
    %dma_wait3A_92 = arith.constant 0 : i32
    %dma_wait3A_93 = tpu.memref_slice %arg2[%arg1, %dma_wait3A_90, %dma_wait3A_91, %dma_wait3A_92] : memref<16x840x2x24xi32, #tpu.memory_space<hbm>> -> memref<1x1x2x24xi32, #tpu.memory_space<hbm>>
    %dma_wait3A_94 = tpu.memref_squeeze %dma_wait3A_93 : memref<1x1x2x24xi32, #tpu.memory_space<hbm>> -> memref<2x24xi32, #tpu.memory_space<hbm>>
    %dma_wait3A_95 = arith.constant 0 : i32
    %dma_wait3A_96 = arith.constant 0 : i32
    %dma_wait3A_97 = tpu.memref_slice %arg2[%arg1, %dma_wait3A_90, %dma_wait3A_95, %dma_wait3A_96] : memref<16x840x2x24xi32, #tpu.memory_space<hbm>> -> memref<1x1x2x24xi32, #tpu.memory_space<hbm>>
    %dma_wait3A_98 = tpu.memref_squeeze %dma_wait3A_97 : memref<1x1x2x24xi32, #tpu.memory_space<hbm>> -> memref<2x24xi32, #tpu.memory_space<hbm>>
    tpu.wait_dma2 semaphore(%arg23 : memref<!tpu.dma_semaphore, #tpu.memory_space<semaphore_mem>>) src(%dma_wait3A_98 : memref<2x24xi32, #tpu.memory_space<hbm>>) dst(%arg9 : memref<2x24xi32, #tpu.memory_space<vmem>>)
    %dma_start3A_99 = arith.constant 0 : i32
    %dma_start3A_100 = arith.constant 0 : i32
    %dma_start3A_101 = tpu.memref_slice %arg9[%dma_start3A_99, %dma_start3A_100] : memref<2x24xi32, #tpu.memory_space<vmem>> -> memref<1x24xi32, #tpu.memory_space<vmem>>
    %dma_start3A_102 = tpu.memref_squeeze %dma_start3A_101 : memref<1x24xi32, #tpu.memory_space<vmem>> -> memref<24xi32, #tpu.memory_space<vmem>>
    %dma_start3A_103 = arith.constant 0 : i32
    %dma_start3A_104 = arith.constant 0 : i32
    %dma_start3A_105 = tpu.memref_slice %arg20[%dma_start3A_103, %dma_start3A_104] : memref<10000x192xbf16, #tpu.memory_space<vmem_shared>> -> memref<10000x192xbf16, #tpu.memory_space<vmem_shared>>
    tpu.enqueue_indirect_dma source(%dma_start3A_105 : memref<10000x192xbf16, #tpu.memory_space<vmem_shared>>) target(%arg17 : memref<24x192xbf16, #tpu.memory_space<vmem>>) offsets(%dma_start3A_102 : memref<24xi32, #tpu.memory_space<vmem>>) semaphore(%arg31 : memref<!tpu.dma_semaphore, #tpu.memory_space<semaphore_mem>>)
    %dma_wait3A_106 = arith.constant 2 : i32
    %dma_wait3A_107 = arith.constant 0 : i32
    %dma_wait3A_108 = arith.constant 0 : i32
    %dma_wait3A_109 = tpu.memref_slice %arg2[%arg1, %dma_wait3A_106, %dma_wait3A_107, %dma_wait3A_108] : memref<16x840x2x24xi32, #tpu.memory_space<hbm>> -> memref<1x1x2x24xi32, #tpu.memory_space<hbm>>
    %dma_wait3A_110 = tpu.memref_squeeze %dma_wait3A_109 : memref<1x1x2x24xi32, #tpu.memory_space<hbm>> -> memref<2x24xi32, #tpu.memory_space<hbm>>
    %dma_wait3A_111 = arith.constant 0 : i32
    %dma_wait3A_112 = arith.constant 0 : i32
    %dma_wait3A_113 = tpu.memref_slice %arg2[%arg1, %dma_wait3A_106, %dma_wait3A_111, %dma_wait3A_112] : memref<16x840x2x24xi32, #tpu.memory_space<hbm>> -> memref<1x1x2x24xi32, #tpu.memory_space<hbm>>
    %dma_wait3A_114 = tpu.memref_squeeze %dma_wait3A_113 : memref<1x1x2x24xi32, #tpu.memory_space<hbm>> -> memref<2x24xi32, #tpu.memory_space<hbm>>
    tpu.wait_dma2 semaphore(%arg24 : memref<!tpu.dma_semaphore, #tpu.memory_space<semaphore_mem>>) src(%dma_wait3A_114 : memref<2x24xi32, #tpu.memory_space<hbm>>) dst(%arg10 : memref<2x24xi32, #tpu.memory_space<vmem>>)
    %dma_start3A_115 = arith.constant 0 : i32
    %dma_start3A_116 = arith.constant 0 : i32
    %dma_start3A_117 = tpu.memref_slice %arg10[%dma_start3A_115, %dma_start3A_116] : memref<2x24xi32, #tpu.memory_space<vmem>> -> memref<1x24xi32, #tpu.memory_space<vmem>>
    %dma_start3A_118 = tpu.memref_squeeze %dma_start3A_117 : memref<1x24xi32, #tpu.memory_space<vmem>> -> memref<24xi32, #tpu.memory_space<vmem>>
    %dma_start3A_119 = arith.constant 0 : i32
    %dma_start3A_120 = arith.constant 0 : i32
    %dma_start3A_121 = tpu.memref_slice %arg20[%dma_start3A_119, %dma_start3A_120] : memref<10000x192xbf16, #tpu.memory_space<vmem_shared>> -> memref<10000x192xbf16, #tpu.memory_space<vmem_shared>>
    tpu.enqueue_indirect_dma source(%dma_start3A_121 : memref<10000x192xbf16, #tpu.memory_space<vmem_shared>>) target(%arg18 : memref<24x192xbf16, #tpu.memory_space<vmem>>) offsets(%dma_start3A_118 : memref<24xi32, #tpu.memory_space<vmem>>) semaphore(%arg32 : memref<!tpu.dma_semaphore, #tpu.memory_space<semaphore_mem>>)
    %scan3A = arith.constant 0 : i32
    %scan3A_122 = arith.constant 0 : i32
    %scan3A_123 = arith.constant 105 : i32
    %scan3A_124 = arith.addi %scan3A_122, %scan3A_123 : i32
    %scan3A_125 = arith.constant 1 : i32
    scf.for %scan3A_145 = %scan3A_122 to %scan3A_124 step %scan3A_125  : i32 {
      %mul3A_146 = arith.constant 8 : i32
      %mul3A_147 = arith.muli %mul3A_146, %scan3A_145 : i32
      %add3A = arith.constant 0 : i32
      %add3A_148 = arith.addi %mul3A_147, %add3A : i32
      %dma_wait3A_149 = arith.constant 0 : i32
      %dma_wait3A_150 = arith.constant 0 : i32
      %dma_wait3A_151 = tpu.memref_slice %arg8[%dma_wait3A_149, %dma_wait3A_150] : memref<2x24xi32, #tpu.memory_space<vmem>> -> memref<1x24xi32, #tpu.memory_space<vmem>>
      %dma_wait3A_152 = tpu.memref_squeeze %dma_wait3A_151 : memref<1x24xi32, #tpu.memory_space<vmem>> -> memref<24xi32, #tpu.memory_space<vmem>>
      %dma_wait3A_153 = arith.constant 0 : i32
      %dma_wait3A_154 = arith.constant 0 : i32
      %dma_wait3A_155 = tpu.memref_slice %arg20[%dma_wait3A_153, %dma_wait3A_154] : memref<10000x192xbf16, #tpu.memory_space<vmem_shared>> -> memref<10000x192xbf16, #tpu.memory_space<vmem_shared>>
      tpu.wait_indirect_dma semaphore(%arg30 : memref<!tpu.dma_semaphore, #tpu.memory_space<semaphore_mem>>) src(%dma_wait3A_155 : memref<10000x192xbf16, #tpu.memory_space<vmem_shared>>) dst(%arg16 : memref<24x192xbf16, #tpu.memory_space<vmem>>)
      %dma_start3A_156 = arith.constant 1 : i32
      %dma_start3A_157 = arith.constant 0 : i32
      %dma_start3A_158 = tpu.memref_slice %arg8[%dma_start3A_156, %dma_start3A_157] : memref<2x24xi32, #tpu.memory_space<vmem>> -> memref<1x24xi32, #tpu.memory_space<vmem>>
      %dma_start3A_159 = tpu.memref_squeeze %dma_start3A_158 : memref<1x24xi32, #tpu.memory_space<vmem>> -> memref<24xi32, #tpu.memory_space<vmem>>
      %dma_start3A_160 = arith.constant 0 : i32
      %dma_start3A_161 = arith.constant 0 : i32
      %dma_start3A_162 = tpu.memref_slice %arg21[%dma_start3A_160, %dma_start3A_161] : memref<10016x192xbf16, #tpu.memory_space<vmem_shared>> -> memref<10016x192xbf16, #tpu.memory_space<vmem_shared>>
      tpu.enqueue_indirect_dma source(%arg16 : memref<24x192xbf16, #tpu.memory_space<vmem>>) target(%dma_start3A_162 : memref<10016x192xbf16, #tpu.memory_space<vmem_shared>>) offsets(%dma_start3A_159 : memref<24xi32, #tpu.memory_space<vmem>>) semaphore(%arg34 : memref<!tpu.dma_semaphore, #tpu.memory_space<semaphore_mem>>) {add = true}
      %ge3A = arith.constant 1 : i32
      %ge3A_163 = arith.cmpi sge, %scan3A_145, %ge3A : i32
      %convert_element_type3A_164 = arith.extui %ge3A_163 : i1 to i32
      %cond3A_165 = arith.constant 0 : i32
      %cond3A_166 = arith.cmpi ne, %convert_element_type3A_164, %cond3A_165 : i32
      scf.if %cond3A_166 {
        %dma_wait3A_509 = arith.constant 1 : i32
        %dma_wait3A_510 = arith.constant 0 : i32
        %dma_wait3A_511 = tpu.memref_slice %arg15[%dma_wait3A_509, %dma_wait3A_510] : memref<2x24xi32, #tpu.memory_space<vmem>> -> memref<1x24xi32, #tpu.memory_space<vmem>>
        %dma_wait3A_512 = tpu.memref_squeeze %dma_wait3A_511 : memref<1x24xi32, #tpu.memory_space<vmem>> -> memref<24xi32, #tpu.memory_space<vmem>>
        %dma_wait3A_513 = arith.constant 0 : i32
        %dma_wait3A_514 = arith.constant 0 : i32
        %dma_wait3A_515 = tpu.memref_slice %arg21[%dma_wait3A_513, %dma_wait3A_514] : memref<10016x192xbf16, #tpu.memory_space<vmem_shared>> -> memref<10016x192xbf16, #tpu.memory_space<vmem_shared>>
        tpu.wait_indirect_dma semaphore(%arg37 : memref<!tpu.dma_semaphore, #tpu.memory_space<semaphore_mem>>) src(%arg19 : memref<24x192xbf16, #tpu.memory_space<vmem>>) dst(%dma_wait3A_515 : memref<10016x192xbf16, #tpu.memory_space<vmem_shared>>)
      } else {
      }
      %add3A_167 = arith.constant 3 : i32
      %add3A_168 = arith.addi %add3A_148, %add3A_167 : i32
      %dma_wait3A_169 = arith.constant 0 : i32
      %dma_wait3A_170 = arith.constant 0 : i32
      %dma_wait3A_171 = tpu.memref_slice %arg2[%arg1, %add3A_168, %dma_wait3A_169, %dma_wait3A_170] : memref<16x840x2x24xi32, #tpu.memory_space<hbm>> -> memref<1x1x2x24xi32, #tpu.memory_space<hbm>>
      %dma_wait3A_172 = tpu.memref_squeeze %dma_wait3A_171 : memref<1x1x2x24xi32, #tpu.memory_space<hbm>> -> memref<2x24xi32, #tpu.memory_space<hbm>>
      %dma_wait3A_173 = arith.constant 0 : i32
      %dma_wait3A_174 = arith.constant 0 : i32
      %dma_wait3A_175 = tpu.memref_slice %arg2[%arg1, %add3A_168, %dma_wait3A_173, %dma_wait3A_174] : memref<16x840x2x24xi32, #tpu.memory_space<hbm>> -> memref<1x1x2x24xi32, #tpu.memory_space<hbm>>
      %dma_wait3A_176 = tpu.memref_squeeze %dma_wait3A_175 : memref<1x1x2x24xi32, #tpu.memory_space<hbm>> -> memref<2x24xi32, #tpu.memory_space<hbm>>
      tpu.wait_dma2 semaphore(%arg25 : memref<!tpu.dma_semaphore, #tpu.memory_space<semaphore_mem>>) src(%dma_wait3A_176 : memref<2x24xi32, #tpu.memory_space<hbm>>) dst(%arg11 : memref<2x24xi32, #tpu.memory_space<vmem>>)
      %dma_start3A_177 = arith.constant 0 : i32
      %dma_start3A_178 = arith.constant 0 : i32
      %dma_start3A_179 = tpu.memref_slice %arg11[%dma_start3A_177, %dma_start3A_178] : memref<2x24xi32, #tpu.memory_space<vmem>> -> memref<1x24xi32, #tpu.memory_space<vmem>>
      %dma_start3A_180 = tpu.memref_squeeze %dma_start3A_179 : memref<1x24xi32, #tpu.memory_space<vmem>> -> memref<24xi32, #tpu.memory_space<vmem>>
      %dma_start3A_181 = arith.constant 0 : i32
      %dma_start3A_182 = arith.constant 0 : i32
      %dma_start3A_183 = tpu.memref_slice %arg20[%dma_start3A_181, %dma_start3A_182] : memref<10000x192xbf16, #tpu.memory_space<vmem_shared>> -> memref<10000x192xbf16, #tpu.memory_space<vmem_shared>>
      tpu.enqueue_indirect_dma source(%dma_start3A_183 : memref<10000x192xbf16, #tpu.memory_space<vmem_shared>>) target(%arg19 : memref<24x192xbf16, #tpu.memory_space<vmem>>) offsets(%dma_start3A_180 : memref<24xi32, #tpu.memory_space<vmem>>) semaphore(%arg33 : memref<!tpu.dma_semaphore, #tpu.memory_space<semaphore_mem>>)
      %add3A_184 = arith.constant 6 : i32
      %add3A_185 = arith.addi %add3A_148, %add3A_184 : i32
      %dma_start3A_186 = arith.constant 0 : i32
      %dma_start3A_187 = arith.constant 0 : i32
      %dma_start3A_188 = tpu.memref_slice %arg2[%arg1, %add3A_185, %dma_start3A_186, %dma_start3A_187] : memref<16x840x2x24xi32, #tpu.memory_space<hbm>> -> memref<1x1x2x24xi32, #tpu.memory_space<hbm>>
      %dma_start3A_189 = tpu.memref_squeeze %dma_start3A_188 : memref<1x1x2x24xi32, #tpu.memory_space<hbm>> -> memref<2x24xi32, #tpu.memory_space<hbm>>
      %dma_start3A_190 = arith.constant 0 : i32
      %dma_start3A_191 = arith.constant 0 : i32
      %dma_start3A_192 = tpu.memref_slice %arg2[%arg1, %add3A_185, %dma_start3A_190, %dma_start3A_191] : memref<16x840x2x24xi32, #tpu.memory_space<hbm>> -> memref<1x1x2x24xi32, #tpu.memory_space<hbm>>
      %dma_start3A_193 = tpu.memref_squeeze %dma_start3A_192 : memref<1x1x2x24xi32, #tpu.memory_space<hbm>> -> memref<2x24xi32, #tpu.memory_space<hbm>>
      tpu.enqueue_dma source(%dma_start3A_193 : memref<2x24xi32, #tpu.memory_space<hbm>>) target(%arg14 : memref<2x24xi32, #tpu.memory_space<vmem>>) target_semaphore(%arg28 : memref<!tpu.dma_semaphore, #tpu.memory_space<semaphore_mem>>)
      %mul3A_194 = arith.constant 8 : i32
      %mul3A_195 = arith.muli %mul3A_194, %scan3A_145 : i32
      %add3A_196 = arith.constant 1 : i32
      %add3A_197 = arith.addi %mul3A_195, %add3A_196 : i32
      %dma_wait3A_198 = arith.constant 0 : i32
      %dma_wait3A_199 = arith.constant 0 : i32
      %dma_wait3A_200 = tpu.memref_slice %arg9[%dma_wait3A_198, %dma_wait3A_199] : memref<2x24xi32, #tpu.memory_space<vmem>> -> memref<1x24xi32, #tpu.memory_space<vmem>>
      %dma_wait3A_201 = tpu.memref_squeeze %dma_wait3A_200 : memref<1x24xi32, #tpu.memory_space<vmem>> -> memref<24xi32, #tpu.memory_space<vmem>>
      %dma_wait3A_202 = arith.constant 0 : i32
      %dma_wait3A_203 = arith.constant 0 : i32
      %dma_wait3A_204 = tpu.memref_slice %arg20[%dma_wait3A_202, %dma_wait3A_203] : memref<10000x192xbf16, #tpu.memory_space<vmem_shared>> -> memref<10000x192xbf16, #tpu.memory_space<vmem_shared>>
      tpu.wait_indirect_dma semaphore(%arg31 : memref<!tpu.dma_semaphore, #tpu.memory_space<semaphore_mem>>) src(%dma_wait3A_204 : memref<10000x192xbf16, #tpu.memory_space<vmem_shared>>) dst(%arg17 : memref<24x192xbf16, #tpu.memory_space<vmem>>)
      %dma_start3A_205 = arith.constant 1 : i32
      %dma_start3A_206 = arith.constant 0 : i32
      %dma_start3A_207 = tpu.memref_slice %arg9[%dma_start3A_205, %dma_start3A_206] : memref<2x24xi32, #tpu.memory_space<vmem>> -> memref<1x24xi32, #tpu.memory_space<vmem>>
      %dma_start3A_208 = tpu.memref_squeeze %dma_start3A_207 : memref<1x24xi32, #tpu.memory_space<vmem>> -> memref<24xi32, #tpu.memory_space<vmem>>
      %dma_start3A_209 = arith.constant 0 : i32
      %dma_start3A_210 = arith.constant 0 : i32
      %dma_start3A_211 = tpu.memref_slice %arg21[%dma_start3A_209, %dma_start3A_210] : memref<10016x192xbf16, #tpu.memory_space<vmem_shared>> -> memref<10016x192xbf16, #tpu.memory_space<vmem_shared>>
      tpu.enqueue_indirect_dma source(%arg17 : memref<24x192xbf16, #tpu.memory_space<vmem>>) target(%dma_start3A_211 : memref<10016x192xbf16, #tpu.memory_space<vmem_shared>>) offsets(%dma_start3A_208 : memref<24xi32, #tpu.memory_space<vmem>>) semaphore(%arg35 : memref<!tpu.dma_semaphore, #tpu.memory_space<semaphore_mem>>) {add = true}
      %dma_wait3A_212 = arith.constant 1 : i32
      %dma_wait3A_213 = arith.constant 0 : i32
      %dma_wait3A_214 = tpu.memref_slice %arg8[%dma_wait3A_212, %dma_wait3A_213] : memref<2x24xi32, #tpu.memory_space<vmem>> -> memref<1x24xi32, #tpu.memory_space<vmem>>
      %dma_wait3A_215 = tpu.memref_squeeze %dma_wait3A_214 : memref<1x24xi32, #tpu.memory_space<vmem>> -> memref<24xi32, #tpu.memory_space<vmem>>
      %dma_wait3A_216 = arith.constant 0 : i32
      %dma_wait3A_217 = arith.constant 0 : i32
      %dma_wait3A_218 = tpu.memref_slice %arg21[%dma_wait3A_216, %dma_wait3A_217] : memref<10016x192xbf16, #tpu.memory_space<vmem_shared>> -> memref<10016x192xbf16, #tpu.memory_space<vmem_shared>>
      tpu.wait_indirect_dma semaphore(%arg34 : memref<!tpu.dma_semaphore, #tpu.memory_space<semaphore_mem>>) src(%arg16 : memref<24x192xbf16, #tpu.memory_space<vmem>>) dst(%dma_wait3A_218 : memref<10016x192xbf16, #tpu.memory_space<vmem_shared>>)
      %add3A_219 = arith.constant 3 : i32
      %add3A_220 = arith.addi %add3A_197, %add3A_219 : i32
      %dma_wait3A_221 = arith.constant 0 : i32
      %dma_wait3A_222 = arith.constant 0 : i32
      %dma_wait3A_223 = tpu.memref_slice %arg2[%arg1, %add3A_220, %dma_wait3A_221, %dma_wait3A_222] : memref<16x840x2x24xi32, #tpu.memory_space<hbm>> -> memref<1x1x2x24xi32, #tpu.memory_space<hbm>>
      %dma_wait3A_224 = tpu.memref_squeeze %dma_wait3A_223 : memref<1x1x2x24xi32, #tpu.memory_space<hbm>> -> memref<2x24xi32, #tpu.memory_space<hbm>>
      %dma_wait3A_225 = arith.constant 0 : i32
      %dma_wait3A_226 = arith.constant 0 : i32
      %dma_wait3A_227 = tpu.memref_slice %arg2[%arg1, %add3A_220, %dma_wait3A_225, %dma_wait3A_226] : memref<16x840x2x24xi32, #tpu.memory_space<hbm>> -> memref<1x1x2x24xi32, #tpu.memory_space<hbm>>
      %dma_wait3A_228 = tpu.memref_squeeze %dma_wait3A_227 : memref<1x1x2x24xi32, #tpu.memory_space<hbm>> -> memref<2x24xi32, #tpu.memory_space<hbm>>
      tpu.wait_dma2 semaphore(%arg26 : memref<!tpu.dma_semaphore, #tpu.memory_space<semaphore_mem>>) src(%dma_wait3A_228 : memref<2x24xi32, #tpu.memory_space<hbm>>) dst(%arg12 : memref<2x24xi32, #tpu.memory_space<vmem>>)
      %dma_start3A_229 = arith.constant 0 : i32
      %dma_start3A_230 = arith.constant 0 : i32
      %dma_start3A_231 = tpu.memref_slice %arg12[%dma_start3A_229, %dma_start3A_230] : memref<2x24xi32, #tpu.memory_space<vmem>> -> memref<1x24xi32, #tpu.memory_space<vmem>>
      %dma_start3A_232 = tpu.memref_squeeze %dma_start3A_231 : memref<1x24xi32, #tpu.memory_space<vmem>> -> memref<24xi32, #tpu.memory_space<vmem>>
      %dma_start3A_233 = arith.constant 0 : i32
      %dma_start3A_234 = arith.constant 0 : i32
      %dma_start3A_235 = tpu.memref_slice %arg20[%dma_start3A_233, %dma_start3A_234] : memref<10000x192xbf16, #tpu.memory_space<vmem_shared>> -> memref<10000x192xbf16, #tpu.memory_space<vmem_shared>>
      tpu.enqueue_indirect_dma source(%dma_start3A_235 : memref<10000x192xbf16, #tpu.memory_space<vmem_shared>>) target(%arg16 : memref<24x192xbf16, #tpu.memory_space<vmem>>) offsets(%dma_start3A_232 : memref<24xi32, #tpu.memory_space<vmem>>) semaphore(%arg30 : memref<!tpu.dma_semaphore, #tpu.memory_space<semaphore_mem>>)
      %add3A_236 = arith.constant 6 : i32
      %add3A_237 = arith.addi %add3A_197, %add3A_236 : i32
      %dma_start3A_238 = arith.constant 0 : i32
      %dma_start3A_239 = arith.constant 0 : i32
      %dma_start3A_240 = tpu.memref_slice %arg2[%arg1, %add3A_237, %dma_start3A_238, %dma_start3A_239] : memref<16x840x2x24xi32, #tpu.memory_space<hbm>> -> memref<1x1x2x24xi32, #tpu.memory_space<hbm>>
      %dma_start3A_241 = tpu.memref_squeeze %dma_start3A_240 : memref<1x1x2x24xi32, #tpu.memory_space<hbm>> -> memref<2x24xi32, #tpu.memory_space<hbm>>
      %dma_start3A_242 = arith.constant 0 : i32
      %dma_start3A_243 = arith.constant 0 : i32
      %dma_start3A_244 = tpu.memref_slice %arg2[%arg1, %add3A_237, %dma_start3A_242, %dma_start3A_243] : memref<16x840x2x24xi32, #tpu.memory_space<hbm>> -> memref<1x1x2x24xi32, #tpu.memory_space<hbm>>
      %dma_start3A_245 = tpu.memref_squeeze %dma_start3A_244 : memref<1x1x2x24xi32, #tpu.memory_space<hbm>> -> memref<2x24xi32, #tpu.memory_space<hbm>>
      tpu.enqueue_dma source(%dma_start3A_245 : memref<2x24xi32, #tpu.memory_space<hbm>>) target(%arg15 : memref<2x24xi32, #tpu.memory_space<vmem>>) target_semaphore(%arg29 : memref<!tpu.dma_semaphore, #tpu.memory_space<semaphore_mem>>)
      %mul3A_246 = arith.constant 8 : i32
      %mul3A_247 = arith.muli %mul3A_246, %scan3A_145 : i32
      %add3A_248 = arith.constant 2 : i32
      %add3A_249 = arith.addi %mul3A_247, %add3A_248 : i32
      %dma_wait3A_250 = arith.constant 0 : i32
      %dma_wait3A_251 = arith.constant 0 : i32
      %dma_wait3A_252 = tpu.memref_slice %arg10[%dma_wait3A_250, %dma_wait3A_251] : memref<2x24xi32, #tpu.memory_space<vmem>> -> memref<1x24xi32, #tpu.memory_space<vmem>>
      %dma_wait3A_253 = tpu.memref_squeeze %dma_wait3A_252 : memref<1x24xi32, #tpu.memory_space<vmem>> -> memref<24xi32, #tpu.memory_space<vmem>>
      %dma_wait3A_254 = arith.constant 0 : i32
      %dma_wait3A_255 = arith.constant 0 : i32
      %dma_wait3A_256 = tpu.memref_slice %arg20[%dma_wait3A_254, %dma_wait3A_255] : memref<10000x192xbf16, #tpu.memory_space<vmem_shared>> -> memref<10000x192xbf16, #tpu.memory_space<vmem_shared>>
      tpu.wait_indirect_dma semaphore(%arg32 : memref<!tpu.dma_semaphore, #tpu.memory_space<semaphore_mem>>) src(%dma_wait3A_256 : memref<10000x192xbf16, #tpu.memory_space<vmem_shared>>) dst(%arg18 : memref<24x192xbf16, #tpu.memory_space<vmem>>)
      %dma_start3A_257 = arith.constant 1 : i32
      %dma_start3A_258 = arith.constant 0 : i32
      %dma_start3A_259 = tpu.memref_slice %arg10[%dma_start3A_257, %dma_start3A_258] : memref<2x24xi32, #tpu.memory_space<vmem>> -> memref<1x24xi32, #tpu.memory_space<vmem>>
      %dma_start3A_260 = tpu.memref_squeeze %dma_start3A_259 : memref<1x24xi32, #tpu.memory_space<vmem>> -> memref<24xi32, #tpu.memory_space<vmem>>
      %dma_start3A_261 = arith.constant 0 : i32
      %dma_start3A_262 = arith.constant 0 : i32
      %dma_start3A_263 = tpu.memref_slice %arg21[%dma_start3A_261, %dma_start3A_262] : memref<10016x192xbf16, #tpu.memory_space<vmem_shared>> -> memref<10016x192xbf16, #tpu.memory_space<vmem_shared>>
      tpu.enqueue_indirect_dma source(%arg18 : memref<24x192xbf16, #tpu.memory_space<vmem>>) target(%dma_start3A_263 : memref<10016x192xbf16, #tpu.memory_space<vmem_shared>>) offsets(%dma_start3A_260 : memref<24xi32, #tpu.memory_space<vmem>>) semaphore(%arg36 : memref<!tpu.dma_semaphore, #tpu.memory_space<semaphore_mem>>) {add = true}
      %dma_wait3A_264 = arith.constant 1 : i32
      %dma_wait3A_265 = arith.constant 0 : i32
      %dma_wait3A_266 = tpu.memref_slice %arg9[%dma_wait3A_264, %dma_wait3A_265] : memref<2x24xi32, #tpu.memory_space<vmem>> -> memref<1x24xi32, #tpu.memory_space<vmem>>
      %dma_wait3A_267 = tpu.memref_squeeze %dma_wait3A_266 : memref<1x24xi32, #tpu.memory_space<vmem>> -> memref<24xi32, #tpu.memory_space<vmem>>
      %dma_wait3A_268 = arith.constant 0 : i32
      %dma_wait3A_269 = arith.constant 0 : i32
      %dma_wait3A_270 = tpu.memref_slice %arg21[%dma_wait3A_268, %dma_wait3A_269] : memref<10016x192xbf16, #tpu.memory_space<vmem_shared>> -> memref<10016x192xbf16, #tpu.memory_space<vmem_shared>>
      tpu.wait_indirect_dma semaphore(%arg35 : memref<!tpu.dma_semaphore, #tpu.memory_space<semaphore_mem>>) src(%arg17 : memref<24x192xbf16, #tpu.memory_space<vmem>>) dst(%dma_wait3A_270 : memref<10016x192xbf16, #tpu.memory_space<vmem_shared>>)
      %add3A_271 = arith.constant 3 : i32
      %add3A_272 = arith.addi %add3A_249, %add3A_271 : i32
      %dma_wait3A_273 = arith.constant 0 : i32
      %dma_wait3A_274 = arith.constant 0 : i32
      %dma_wait3A_275 = tpu.memref_slice %arg2[%arg1, %add3A_272, %dma_wait3A_273, %dma_wait3A_274] : memref<16x840x2x24xi32, #tpu.memory_space<hbm>> -> memref<1x1x2x24xi32, #tpu.memory_space<hbm>>
      %dma_wait3A_276 = tpu.memref_squeeze %dma_wait3A_275 : memref<1x1x2x24xi32, #tpu.memory_space<hbm>> -> memref<2x24xi32, #tpu.memory_space<hbm>>
      %dma_wait3A_277 = arith.constant 0 : i32
      %dma_wait3A_278 = arith.constant 0 : i32
      %dma_wait3A_279 = tpu.memref_slice %arg2[%arg1, %add3A_272, %dma_wait3A_277, %dma_wait3A_278] : memref<16x840x2x24xi32, #tpu.memory_space<hbm>> -> memref<1x1x2x24xi32, #tpu.memory_space<hbm>>
      %dma_wait3A_280 = tpu.memref_squeeze %dma_wait3A_279 : memref<1x1x2x24xi32, #tpu.memory_space<hbm>> -> memref<2x24xi32, #tpu.memory_space<hbm>>
      tpu.wait_dma2 semaphore(%arg27 : memref<!tpu.dma_semaphore, #tpu.memory_space<semaphore_mem>>) src(%dma_wait3A_280 : memref<2x24xi32, #tpu.memory_space<hbm>>) dst(%arg13 : memref<2x24xi32, #tpu.memory_space<vmem>>)
      %dma_start3A_281 = arith.constant 0 : i32
      %dma_start3A_282 = arith.constant 0 : i32
      %dma_start3A_283 = tpu.memref_slice %arg13[%dma_start3A_281, %dma_start3A_282] : memref<2x24xi32, #tpu.memory_space<vmem>> -> memref<1x24xi32, #tpu.memory_space<vmem>>
      %dma_start3A_284 = tpu.memref_squeeze %dma_start3A_283 : memref<1x24xi32, #tpu.memory_space<vmem>> -> memref<24xi32, #tpu.memory_space<vmem>>
      %dma_start3A_285 = arith.constant 0 : i32
      %dma_start3A_286 = arith.constant 0 : i32
      %dma_start3A_287 = tpu.memref_slice %arg20[%dma_start3A_285, %dma_start3A_286] : memref<10000x192xbf16, #tpu.memory_space<vmem_shared>> -> memref<10000x192xbf16, #tpu.memory_space<vmem_shared>>
      tpu.enqueue_indirect_dma source(%dma_start3A_287 : memref<10000x192xbf16, #tpu.memory_space<vmem_shared>>) target(%arg17 : memref<24x192xbf16, #tpu.memory_space<vmem>>) offsets(%dma_start3A_284 : memref<24xi32, #tpu.memory_space<vmem>>) semaphore(%arg31 : memref<!tpu.dma_semaphore, #tpu.memory_space<semaphore_mem>>)
      %add3A_288 = arith.constant 6 : i32
      %add3A_289 = arith.addi %add3A_249, %add3A_288 : i32
      %lt3A = arith.constant 840 : i32
      %lt3A_290 = arith.cmpi slt, %add3A_289, %lt3A : i32
      %convert_element_type3A_291 = arith.extui %lt3A_290 : i1 to i32
      %cond3A_292 = arith.constant 0 : i32
      %cond3A_293 = arith.cmpi ne, %convert_element_type3A_291, %cond3A_292 : i32
      scf.if %cond3A_293 {
        %add3A_509 = arith.constant 6 : i32
        %add3A_510 = arith.addi %add3A_249, %add3A_509 : i32
        %dma_start3A_511 = arith.constant 0 : i32
        %dma_start3A_512 = arith.constant 0 : i32
        %dma_start3A_513 = tpu.memref_slice %arg2[%arg1, %add3A_510, %dma_start3A_511, %dma_start3A_512] : memref<16x840x2x24xi32, #tpu.memory_space<hbm>> -> memref<1x1x2x24xi32, #tpu.memory_space<hbm>>
        %dma_start3A_514 = tpu.memref_squeeze %dma_start3A_513 : memref<1x1x2x24xi32, #tpu.memory_space<hbm>> -> memref<2x24xi32, #tpu.memory_space<hbm>>
        %dma_start3A_515 = arith.constant 0 : i32
        %dma_start3A_516 = arith.constant 0 : i32
        %dma_start3A_517 = tpu.memref_slice %arg2[%arg1, %add3A_510, %dma_start3A_515, %dma_start3A_516] : memref<16x840x2x24xi32, #tpu.memory_space<hbm>> -> memref<1x1x2x24xi32, #tpu.memory_space<hbm>>
        %dma_start3A_518 = tpu.memref_squeeze %dma_start3A_517 : memref<1x1x2x24xi32, #tpu.memory_space<hbm>> -> memref<2x24xi32, #tpu.memory_space<hbm>>
        tpu.enqueue_dma source(%dma_start3A_518 : memref<2x24xi32, #tpu.memory_space<hbm>>) target(%arg8 : memref<2x24xi32, #tpu.memory_space<vmem>>) target_semaphore(%arg22 : memref<!tpu.dma_semaphore, #tpu.memory_space<semaphore_mem>>)
      } else {
      }
      %mul3A_294 = arith.constant 8 : i32
      %mul3A_295 = arith.muli %mul3A_294, %scan3A_145 : i32
      %add3A_296 = arith.constant 3 : i32
      %add3A_297 = arith.addi %mul3A_295, %add3A_296 : i32
      %dma_wait3A_298 = arith.constant 0 : i32
      %dma_wait3A_299 = arith.constant 0 : i32
      %dma_wait3A_300 = tpu.memref_slice %arg11[%dma_wait3A_298, %dma_wait3A_299] : memref<2x24xi32, #tpu.memory_space<vmem>> -> memref<1x24xi32, #tpu.memory_space<vmem>>
      %dma_wait3A_301 = tpu.memref_squeeze %dma_wait3A_300 : memref<1x24xi32, #tpu.memory_space<vmem>> -> memref<24xi32, #tpu.memory_space<vmem>>
      %dma_wait3A_302 = arith.constant 0 : i32
      %dma_wait3A_303 = arith.constant 0 : i32
      %dma_wait3A_304 = tpu.memref_slice %arg20[%dma_wait3A_302, %dma_wait3A_303] : memref<10000x192xbf16, #tpu.memory_space<vmem_shared>> -> memref<10000x192xbf16, #tpu.memory_space<vmem_shared>>
      tpu.wait_indirect_dma semaphore(%arg33 : memref<!tpu.dma_semaphore, #tpu.memory_space<semaphore_mem>>) src(%dma_wait3A_304 : memref<10000x192xbf16, #tpu.memory_space<vmem_shared>>) dst(%arg19 : memref<24x192xbf16, #tpu.memory_space<vmem>>)
      %dma_start3A_305 = arith.constant 1 : i32
      %dma_start3A_306 = arith.constant 0 : i32
      %dma_start3A_307 = tpu.memref_slice %arg11[%dma_start3A_305, %dma_start3A_306] : memref<2x24xi32, #tpu.memory_space<vmem>> -> memref<1x24xi32, #tpu.memory_space<vmem>>
      %dma_start3A_308 = tpu.memref_squeeze %dma_start3A_307 : memref<1x24xi32, #tpu.memory_space<vmem>> -> memref<24xi32, #tpu.memory_space<vmem>>
      %dma_start3A_309 = arith.constant 0 : i32
      %dma_start3A_310 = arith.constant 0 : i32
      %dma_start3A_311 = tpu.memref_slice %arg21[%dma_start3A_309, %dma_start3A_310] : memref<10016x192xbf16, #tpu.memory_space<vmem_shared>> -> memref<10016x192xbf16, #tpu.memory_space<vmem_shared>>
      tpu.enqueue_indirect_dma source(%arg19 : memref<24x192xbf16, #tpu.memory_space<vmem>>) target(%dma_start3A_311 : memref<10016x192xbf16, #tpu.memory_space<vmem_shared>>) offsets(%dma_start3A_308 : memref<24xi32, #tpu.memory_space<vmem>>) semaphore(%arg37 : memref<!tpu.dma_semaphore, #tpu.memory_space<semaphore_mem>>) {add = true}
      %dma_wait3A_312 = arith.constant 1 : i32
      %dma_wait3A_313 = arith.constant 0 : i32
      %dma_wait3A_314 = tpu.memref_slice %arg10[%dma_wait3A_312, %dma_wait3A_313] : memref<2x24xi32, #tpu.memory_space<vmem>> -> memref<1x24xi32, #tpu.memory_space<vmem>>
      %dma_wait3A_315 = tpu.memref_squeeze %dma_wait3A_314 : memref<1x24xi32, #tpu.memory_space<vmem>> -> memref<24xi32, #tpu.memory_space<vmem>>
      %dma_wait3A_316 = arith.constant 0 : i32
      %dma_wait3A_317 = arith.constant 0 : i32
      %dma_wait3A_318 = tpu.memref_slice %arg21[%dma_wait3A_316, %dma_wait3A_317] : memref<10016x192xbf16, #tpu.memory_space<vmem_shared>> -> memref<10016x192xbf16, #tpu.memory_space<vmem_shared>>
      tpu.wait_indirect_dma semaphore(%arg36 : memref<!tpu.dma_semaphore, #tpu.memory_space<semaphore_mem>>) src(%arg18 : memref<24x192xbf16, #tpu.memory_space<vmem>>) dst(%dma_wait3A_318 : memref<10016x192xbf16, #tpu.memory_space<vmem_shared>>)
      %add3A_319 = arith.constant 3 : i32
      %add3A_320 = arith.addi %add3A_297, %add3A_319 : i32
      %dma_wait3A_321 = arith.constant 0 : i32
      %dma_wait3A_322 = arith.constant 0 : i32
      %dma_wait3A_323 = tpu.memref_slice %arg2[%arg1, %add3A_320, %dma_wait3A_321, %dma_wait3A_322] : memref<16x840x2x24xi32, #tpu.memory_space<hbm>> -> memref<1x1x2x24xi32, #tpu.memory_space<hbm>>
      %dma_wait3A_324 = tpu.memref_squeeze %dma_wait3A_323 : memref<1x1x2x24xi32, #tpu.memory_space<hbm>> -> memref<2x24xi32, #tpu.memory_space<hbm>>
      %dma_wait3A_325 = arith.constant 0 : i32
      %dma_wait3A_326 = arith.constant 0 : i32
      %dma_wait3A_327 = tpu.memref_slice %arg2[%arg1, %add3A_320, %dma_wait3A_325, %dma_wait3A_326] : memref<16x840x2x24xi32, #tpu.memory_space<hbm>> -> memref<1x1x2x24xi32, #tpu.memory_space<hbm>>
      %dma_wait3A_328 = tpu.memref_squeeze %dma_wait3A_327 : memref<1x1x2x24xi32, #tpu.memory_space<hbm>> -> memref<2x24xi32, #tpu.memory_space<hbm>>
      tpu.wait_dma2 semaphore(%arg28 : memref<!tpu.dma_semaphore, #tpu.memory_space<semaphore_mem>>) src(%dma_wait3A_328 : memref<2x24xi32, #tpu.memory_space<hbm>>) dst(%arg14 : memref<2x24xi32, #tpu.memory_space<vmem>>)
      %dma_start3A_329 = arith.constant 0 : i32
      %dma_start3A_330 = arith.constant 0 : i32
      %dma_start3A_331 = tpu.memref_slice %arg14[%dma_start3A_329, %dma_start3A_330] : memref<2x24xi32, #tpu.memory_space<vmem>> -> memref<1x24xi32, #tpu.memory_space<vmem>>
      %dma_start3A_332 = tpu.memref_squeeze %dma_start3A_331 : memref<1x24xi32, #tpu.memory_space<vmem>> -> memref<24xi32, #tpu.memory_space<vmem>>
      %dma_start3A_333 = arith.constant 0 : i32
      %dma_start3A_334 = arith.constant 0 : i32
      %dma_start3A_335 = tpu.memref_slice %arg20[%dma_start3A_333, %dma_start3A_334] : memref<10000x192xbf16, #tpu.memory_space<vmem_shared>> -> memref<10000x192xbf16, #tpu.memory_space<vmem_shared>>
      tpu.enqueue_indirect_dma source(%dma_start3A_335 : memref<10000x192xbf16, #tpu.memory_space<vmem_shared>>) target(%arg18 : memref<24x192xbf16, #tpu.memory_space<vmem>>) offsets(%dma_start3A_332 : memref<24xi32, #tpu.memory_space<vmem>>) semaphore(%arg32 : memref<!tpu.dma_semaphore, #tpu.memory_space<semaphore_mem>>)
      %add3A_336 = arith.constant 6 : i32
      %add3A_337 = arith.addi %add3A_297, %add3A_336 : i32
      %lt3A_338 = arith.constant 840 : i32
      %lt3A_339 = arith.cmpi slt, %add3A_337, %lt3A_338 : i32
      %convert_element_type3A_340 = arith.extui %lt3A_339 : i1 to i32
      %cond3A_341 = arith.constant 0 : i32
      %cond3A_342 = arith.cmpi ne, %convert_element_type3A_340, %cond3A_341 : i32
      scf.if %cond3A_342 {
        %add3A_509 = arith.constant 6 : i32
        %add3A_510 = arith.addi %add3A_297, %add3A_509 : i32
        %dma_start3A_511 = arith.constant 0 : i32
        %dma_start3A_512 = arith.constant 0 : i32
        %dma_start3A_513 = tpu.memref_slice %arg2[%arg1, %add3A_510, %dma_start3A_511, %dma_start3A_512] : memref<16x840x2x24xi32, #tpu.memory_space<hbm>> -> memref<1x1x2x24xi32, #tpu.memory_space<hbm>>
        %dma_start3A_514 = tpu.memref_squeeze %dma_start3A_513 : memref<1x1x2x24xi32, #tpu.memory_space<hbm>> -> memref<2x24xi32, #tpu.memory_space<hbm>>
        %dma_start3A_515 = arith.constant 0 : i32
        %dma_start3A_516 = arith.constant 0 : i32
        %dma_start3A_517 = tpu.memref_slice %arg2[%arg1, %add3A_510, %dma_start3A_515, %dma_start3A_516] : memref<16x840x2x24xi32, #tpu.memory_space<hbm>> -> memref<1x1x2x24xi32, #tpu.memory_space<hbm>>
        %dma_start3A_518 = tpu.memref_squeeze %dma_start3A_517 : memref<1x1x2x24xi32, #tpu.memory_space<hbm>> -> memref<2x24xi32, #tpu.memory_space<hbm>>
        tpu.enqueue_dma source(%dma_start3A_518 : memref<2x24xi32, #tpu.memory_space<hbm>>) target(%arg9 : memref<2x24xi32, #tpu.memory_space<vmem>>) target_semaphore(%arg23 : memref<!tpu.dma_semaphore, #tpu.memory_space<semaphore_mem>>)
      } else {
      }
      %mul3A_343 = arith.constant 8 : i32
      %mul3A_344 = arith.muli %mul3A_343, %scan3A_145 : i32
      %add3A_345 = arith.constant 4 : i32
      %add3A_346 = arith.addi %mul3A_344, %add3A_345 : i32
      %dma_wait3A_347 = arith.constant 0 : i32
      %dma_wait3A_348 = arith.constant 0 : i32
      %dma_wait3A_349 = tpu.memref_slice %arg12[%dma_wait3A_347, %dma_wait3A_348] : memref<2x24xi32, #tpu.memory_space<vmem>> -> memref<1x24xi32, #tpu.memory_space<vmem>>
      %dma_wait3A_350 = tpu.memref_squeeze %dma_wait3A_349 : memref<1x24xi32, #tpu.memory_space<vmem>> -> memref<24xi32, #tpu.memory_space<vmem>>
      %dma_wait3A_351 = arith.constant 0 : i32
      %dma_wait3A_352 = arith.constant 0 : i32
      %dma_wait3A_353 = tpu.memref_slice %arg20[%dma_wait3A_351, %dma_wait3A_352] : memref<10000x192xbf16, #tpu.memory_space<vmem_shared>> -> memref<10000x192xbf16, #tpu.memory_space<vmem_shared>>
      tpu.wait_indirect_dma semaphore(%arg30 : memref<!tpu.dma_semaphore, #tpu.memory_space<semaphore_mem>>) src(%dma_wait3A_353 : memref<10000x192xbf16, #tpu.memory_space<vmem_shared>>) dst(%arg16 : memref<24x192xbf16, #tpu.memory_space<vmem>>)
      %dma_start3A_354 = arith.constant 1 : i32
      %dma_start3A_355 = arith.constant 0 : i32
      %dma_start3A_356 = tpu.memref_slice %arg12[%dma_start3A_354, %dma_start3A_355] : memref<2x24xi32, #tpu.memory_space<vmem>> -> memref<1x24xi32, #tpu.memory_space<vmem>>
      %dma_start3A_357 = tpu.memref_squeeze %dma_start3A_356 : memref<1x24xi32, #tpu.memory_space<vmem>> -> memref<24xi32, #tpu.memory_space<vmem>>
      %dma_start3A_358 = arith.constant 0 : i32
      %dma_start3A_359 = arith.constant 0 : i32
      %dma_start3A_360 = tpu.memref_slice %arg21[%dma_start3A_358, %dma_start3A_359] : memref<10016x192xbf16, #tpu.memory_space<vmem_shared>> -> memref<10016x192xbf16, #tpu.memory_space<vmem_shared>>
      tpu.enqueue_indirect_dma source(%arg16 : memref<24x192xbf16, #tpu.memory_space<vmem>>) target(%dma_start3A_360 : memref<10016x192xbf16, #tpu.memory_space<vmem_shared>>) offsets(%dma_start3A_357 : memref<24xi32, #tpu.memory_space<vmem>>) semaphore(%arg34 : memref<!tpu.dma_semaphore, #tpu.memory_space<semaphore_mem>>) {add = true}
      %dma_wait3A_361 = arith.constant 1 : i32
      %dma_wait3A_362 = arith.constant 0 : i32
      %dma_wait3A_363 = tpu.memref_slice %arg11[%dma_wait3A_361, %dma_wait3A_362] : memref<2x24xi32, #tpu.memory_space<vmem>> -> memref<1x24xi32, #tpu.memory_space<vmem>>
      %dma_wait3A_364 = tpu.memref_squeeze %dma_wait3A_363 : memref<1x24xi32, #tpu.memory_space<vmem>> -> memref<24xi32, #tpu.memory_space<vmem>>
      %dma_wait3A_365 = arith.constant 0 : i32
      %dma_wait3A_366 = arith.constant 0 : i32
      %dma_wait3A_367 = tpu.memref_slice %arg21[%dma_wait3A_365, %dma_wait3A_366] : memref<10016x192xbf16, #tpu.memory_space<vmem_shared>> -> memref<10016x192xbf16, #tpu.memory_space<vmem_shared>>
      tpu.wait_indirect_dma semaphore(%arg37 : memref<!tpu.dma_semaphore, #tpu.memory_space<semaphore_mem>>) src(%arg19 : memref<24x192xbf16, #tpu.memory_space<vmem>>) dst(%dma_wait3A_367 : memref<10016x192xbf16, #tpu.memory_space<vmem_shared>>)
      %add3A_368 = arith.constant 3 : i32
      %add3A_369 = arith.addi %add3A_346, %add3A_368 : i32
      %dma_wait3A_370 = arith.constant 0 : i32
      %dma_wait3A_371 = arith.constant 0 : i32
      %dma_wait3A_372 = tpu.memref_slice %arg2[%arg1, %add3A_369, %dma_wait3A_370, %dma_wait3A_371] : memref<16x840x2x24xi32, #tpu.memory_space<hbm>> -> memref<1x1x2x24xi32, #tpu.memory_space<hbm>>
      %dma_wait3A_373 = tpu.memref_squeeze %dma_wait3A_372 : memref<1x1x2x24xi32, #tpu.memory_space<hbm>> -> memref<2x24xi32, #tpu.memory_space<hbm>>
      %dma_wait3A_374 = arith.constant 0 : i32
      %dma_wait3A_375 = arith.constant 0 : i32
      %dma_wait3A_376 = tpu.memref_slice %arg2[%arg1, %add3A_369, %dma_wait3A_374, %dma_wait3A_375] : memref<16x840x2x24xi32, #tpu.memory_space<hbm>> -> memref<1x1x2x24xi32, #tpu.memory_space<hbm>>
      %dma_wait3A_377 = tpu.memref_squeeze %dma_wait3A_376 : memref<1x1x2x24xi32, #tpu.memory_space<hbm>> -> memref<2x24xi32, #tpu.memory_space<hbm>>
      tpu.wait_dma2 semaphore(%arg29 : memref<!tpu.dma_semaphore, #tpu.memory_space<semaphore_mem>>) src(%dma_wait3A_377 : memref<2x24xi32, #tpu.memory_space<hbm>>) dst(%arg15 : memref<2x24xi32, #tpu.memory_space<vmem>>)
      %dma_start3A_378 = arith.constant 0 : i32
      %dma_start3A_379 = arith.constant 0 : i32
      %dma_start3A_380 = tpu.memref_slice %arg15[%dma_start3A_378, %dma_start3A_379] : memref<2x24xi32, #tpu.memory_space<vmem>> -> memref<1x24xi32, #tpu.memory_space<vmem>>
      %dma_start3A_381 = tpu.memref_squeeze %dma_start3A_380 : memref<1x24xi32, #tpu.memory_space<vmem>> -> memref<24xi32, #tpu.memory_space<vmem>>
      %dma_start3A_382 = arith.constant 0 : i32
      %dma_start3A_383 = arith.constant 0 : i32
      %dma_start3A_384 = tpu.memref_slice %arg20[%dma_start3A_382, %dma_start3A_383] : memref<10000x192xbf16, #tpu.memory_space<vmem_shared>> -> memref<10000x192xbf16, #tpu.memory_space<vmem_shared>>
      tpu.enqueue_indirect_dma source(%dma_start3A_384 : memref<10000x192xbf16, #tpu.memory_space<vmem_shared>>) target(%arg19 : memref<24x192xbf16, #tpu.memory_space<vmem>>) offsets(%dma_start3A_381 : memref<24xi32, #tpu.memory_space<vmem>>) semaphore(%arg33 : memref<!tpu.dma_semaphore, #tpu.memory_space<semaphore_mem>>)
      %add3A_385 = arith.constant 6 : i32
      %add3A_386 = arith.addi %add3A_346, %add3A_385 : i32
      %lt3A_387 = arith.constant 840 : i32
      %lt3A_388 = arith.cmpi slt, %add3A_386, %lt3A_387 : i32
      %convert_element_type3A_389 = arith.extui %lt3A_388 : i1 to i32
      %cond3A_390 = arith.constant 0 : i32
      %cond3A_391 = arith.cmpi ne, %convert_element_type3A_389, %cond3A_390 : i32
      scf.if %cond3A_391 {
        %add3A_509 = arith.constant 6 : i32
        %add3A_510 = arith.addi %add3A_346, %add3A_509 : i32
        %dma_start3A_511 = arith.constant 0 : i32
        %dma_start3A_512 = arith.constant 0 : i32
        %dma_start3A_513 = tpu.memref_slice %arg2[%arg1, %add3A_510, %dma_start3A_511, %dma_start3A_512] : memref<16x840x2x24xi32, #tpu.memory_space<hbm>> -> memref<1x1x2x24xi32, #tpu.memory_space<hbm>>
        %dma_start3A_514 = tpu.memref_squeeze %dma_start3A_513 : memref<1x1x2x24xi32, #tpu.memory_space<hbm>> -> memref<2x24xi32, #tpu.memory_space<hbm>>
        %dma_start3A_515 = arith.constant 0 : i32
        %dma_start3A_516 = arith.constant 0 : i32
        %dma_start3A_517 = tpu.memref_slice %arg2[%arg1, %add3A_510, %dma_start3A_515, %dma_start3A_516] : memref<16x840x2x24xi32, #tpu.memory_space<hbm>> -> memref<1x1x2x24xi32, #tpu.memory_space<hbm>>
        %dma_start3A_518 = tpu.memref_squeeze %dma_start3A_517 : memref<1x1x2x24xi32, #tpu.memory_space<hbm>> -> memref<2x24xi32, #tpu.memory_space<hbm>>
        tpu.enqueue_dma source(%dma_start3A_518 : memref<2x24xi32, #tpu.memory_space<hbm>>) target(%arg10 : memref<2x24xi32, #tpu.memory_space<vmem>>) target_semaphore(%arg24 : memref<!tpu.dma_semaphore, #tpu.memory_space<semaphore_mem>>)
      } else {
      }
      %mul3A_392 = arith.constant 8 : i32
      %mul3A_393 = arith.muli %mul3A_392, %scan3A_145 : i32
      %add3A_394 = arith.constant 5 : i32
      %add3A_395 = arith.addi %mul3A_393, %add3A_394 : i32
      %dma_wait3A_396 = arith.constant 0 : i32
      %dma_wait3A_397 = arith.constant 0 : i32
      %dma_wait3A_398 = tpu.memref_slice %arg13[%dma_wait3A_396, %dma_wait3A_397] : memref<2x24xi32, #tpu.memory_space<vmem>> -> memref<1x24xi32, #tpu.memory_space<vmem>>
      %dma_wait3A_399 = tpu.memref_squeeze %dma_wait3A_398 : memref<1x24xi32, #tpu.memory_space<vmem>> -> memref<24xi32, #tpu.memory_space<vmem>>
      %dma_wait3A_400 = arith.constant 0 : i32
      %dma_wait3A_401 = arith.constant 0 : i32
      %dma_wait3A_402 = tpu.memref_slice %arg20[%dma_wait3A_400, %dma_wait3A_401] : memref<10000x192xbf16, #tpu.memory_space<vmem_shared>> -> memref<10000x192xbf16, #tpu.memory_space<vmem_shared>>
      tpu.wait_indirect_dma semaphore(%arg31 : memref<!tpu.dma_semaphore, #tpu.memory_space<semaphore_mem>>) src(%dma_wait3A_402 : memref<10000x192xbf16, #tpu.memory_space<vmem_shared>>) dst(%arg17 : memref<24x192xbf16, #tpu.memory_space<vmem>>)
      %dma_start3A_403 = arith.constant 1 : i32
      %dma_start3A_404 = arith.constant 0 : i32
      %dma_start3A_405 = tpu.memref_slice %arg13[%dma_start3A_403, %dma_start3A_404] : memref<2x24xi32, #tpu.memory_space<vmem>> -> memref<1x24xi32, #tpu.memory_space<vmem>>
      %dma_start3A_406 = tpu.memref_squeeze %dma_start3A_405 : memref<1x24xi32, #tpu.memory_space<vmem>> -> memref<24xi32, #tpu.memory_space<vmem>>
      %dma_start3A_407 = arith.constant 0 : i32
      %dma_start3A_408 = arith.constant 0 : i32
      %dma_start3A_409 = tpu.memref_slice %arg21[%dma_start3A_407, %dma_start3A_408] : memref<10016x192xbf16, #tpu.memory_space<vmem_shared>> -> memref<10016x192xbf16, #tpu.memory_space<vmem_shared>>
      tpu.enqueue_indirect_dma source(%arg17 : memref<24x192xbf16, #tpu.memory_space<vmem>>) target(%dma_start3A_409 : memref<10016x192xbf16, #tpu.memory_space<vmem_shared>>) offsets(%dma_start3A_406 : memref<24xi32, #tpu.memory_space<vmem>>) semaphore(%arg35 : memref<!tpu.dma_semaphore, #tpu.memory_space<semaphore_mem>>) {add = true}
      %dma_wait3A_410 = arith.constant 1 : i32
      %dma_wait3A_411 = arith.constant 0 : i32
      %dma_wait3A_412 = tpu.memref_slice %arg12[%dma_wait3A_410, %dma_wait3A_411] : memref<2x24xi32, #tpu.memory_space<vmem>> -> memref<1x24xi32, #tpu.memory_space<vmem>>
      %dma_wait3A_413 = tpu.memref_squeeze %dma_wait3A_412 : memref<1x24xi32, #tpu.memory_space<vmem>> -> memref<24xi32, #tpu.memory_space<vmem>>
      %dma_wait3A_414 = arith.constant 0 : i32
      %dma_wait3A_415 = arith.constant 0 : i32
      %dma_wait3A_416 = tpu.memref_slice %arg21[%dma_wait3A_414, %dma_wait3A_415] : memref<10016x192xbf16, #tpu.memory_space<vmem_shared>> -> memref<10016x192xbf16, #tpu.memory_space<vmem_shared>>
      tpu.wait_indirect_dma semaphore(%arg34 : memref<!tpu.dma_semaphore, #tpu.memory_space<semaphore_mem>>) src(%arg16 : memref<24x192xbf16, #tpu.memory_space<vmem>>) dst(%dma_wait3A_416 : memref<10016x192xbf16, #tpu.memory_space<vmem_shared>>)
      %add3A_417 = arith.constant 3 : i32
      %add3A_418 = arith.addi %add3A_395, %add3A_417 : i32
      %lt3A_419 = arith.constant 840 : i32
      %lt3A_420 = arith.cmpi slt, %add3A_418, %lt3A_419 : i32
      %convert_element_type3A_421 = arith.extui %lt3A_420 : i1 to i32
      %cond3A_422 = arith.constant 0 : i32
      %cond3A_423 = arith.cmpi ne, %convert_element_type3A_421, %cond3A_422 : i32
      scf.if %cond3A_423 {
        %add3A_509 = arith.constant 3 : i32
        %add3A_510 = arith.addi %add3A_395, %add3A_509 : i32
        %dma_wait3A_511 = arith.constant 0 : i32
        %dma_wait3A_512 = arith.constant 0 : i32
        %dma_wait3A_513 = tpu.memref_slice %arg2[%arg1, %add3A_510, %dma_wait3A_511, %dma_wait3A_512] : memref<16x840x2x24xi32, #tpu.memory_space<hbm>> -> memref<1x1x2x24xi32, #tpu.memory_space<hbm>>
        %dma_wait3A_514 = tpu.memref_squeeze %dma_wait3A_513 : memref<1x1x2x24xi32, #tpu.memory_space<hbm>> -> memref<2x24xi32, #tpu.memory_space<hbm>>
        %dma_wait3A_515 = arith.constant 0 : i32
        %dma_wait3A_516 = arith.constant 0 : i32
        %dma_wait3A_517 = tpu.memref_slice %arg2[%arg1, %add3A_510, %dma_wait3A_515, %dma_wait3A_516] : memref<16x840x2x24xi32, #tpu.memory_space<hbm>> -> memref<1x1x2x24xi32, #tpu.memory_space<hbm>>
        %dma_wait3A_518 = tpu.memref_squeeze %dma_wait3A_517 : memref<1x1x2x24xi32, #tpu.memory_space<hbm>> -> memref<2x24xi32, #tpu.memory_space<hbm>>
        tpu.wait_dma2 semaphore(%arg22 : memref<!tpu.dma_semaphore, #tpu.memory_space<semaphore_mem>>) src(%dma_wait3A_518 : memref<2x24xi32, #tpu.memory_space<hbm>>) dst(%arg8 : memref<2x24xi32, #tpu.memory_space<vmem>>)
        %dma_start3A_519 = arith.constant 0 : i32
        %dma_start3A_520 = arith.constant 0 : i32
        %dma_start3A_521 = tpu.memref_slice %arg8[%dma_start3A_519, %dma_start3A_520] : memref<2x24xi32, #tpu.memory_space<vmem>> -> memref<1x24xi32, #tpu.memory_space<vmem>>
        %dma_start3A_522 = tpu.memref_squeeze %dma_start3A_521 : memref<1x24xi32, #tpu.memory_space<vmem>> -> memref<24xi32, #tpu.memory_space<vmem>>
        %dma_start3A_523 = arith.constant 0 : i32
        %dma_start3A_524 = arith.constant 0 : i32
        %dma_start3A_525 = tpu.memref_slice %arg20[%dma_start3A_523, %dma_start3A_524] : memref<10000x192xbf16, #tpu.memory_space<vmem_shared>> -> memref<10000x192xbf16, #tpu.memory_space<vmem_shared>>
        tpu.enqueue_indirect_dma source(%dma_start3A_525 : memref<10000x192xbf16, #tpu.memory_space<vmem_shared>>) target(%arg16 : memref<24x192xbf16, #tpu.memory_space<vmem>>) offsets(%dma_start3A_522 : memref<24xi32, #tpu.memory_space<vmem>>) semaphore(%arg30 : memref<!tpu.dma_semaphore, #tpu.memory_space<semaphore_mem>>)
      } else {
      }
      %add3A_424 = arith.constant 6 : i32
      %add3A_425 = arith.addi %add3A_395, %add3A_424 : i32
      %lt3A_426 = arith.constant 840 : i32
      %lt3A_427 = arith.cmpi slt, %add3A_425, %lt3A_426 : i32
      %convert_element_type3A_428 = arith.extui %lt3A_427 : i1 to i32
      %cond3A_429 = arith.constant 0 : i32
      %cond3A_430 = arith.cmpi ne, %convert_element_type3A_428, %cond3A_429 : i32
      scf.if %cond3A_430 {
        %add3A_509 = arith.constant 6 : i32
        %add3A_510 = arith.addi %add3A_395, %add3A_509 : i32
        %dma_start3A_511 = arith.constant 0 : i32
        %dma_start3A_512 = arith.constant 0 : i32
        %dma_start3A_513 = tpu.memref_slice %arg2[%arg1, %add3A_510, %dma_start3A_511, %dma_start3A_512] : memref<16x840x2x24xi32, #tpu.memory_space<hbm>> -> memref<1x1x2x24xi32, #tpu.memory_space<hbm>>
        %dma_start3A_514 = tpu.memref_squeeze %dma_start3A_513 : memref<1x1x2x24xi32, #tpu.memory_space<hbm>> -> memref<2x24xi32, #tpu.memory_space<hbm>>
        %dma_start3A_515 = arith.constant 0 : i32
        %dma_start3A_516 = arith.constant 0 : i32
        %dma_start3A_517 = tpu.memref_slice %arg2[%arg1, %add3A_510, %dma_start3A_515, %dma_start3A_516] : memref<16x840x2x24xi32, #tpu.memory_space<hbm>> -> memref<1x1x2x24xi32, #tpu.memory_space<hbm>>
        %dma_start3A_518 = tpu.memref_squeeze %dma_start3A_517 : memref<1x1x2x24xi32, #tpu.memory_space<hbm>> -> memref<2x24xi32, #tpu.memory_space<hbm>>
        tpu.enqueue_dma source(%dma_start3A_518 : memref<2x24xi32, #tpu.memory_space<hbm>>) target(%arg11 : memref<2x24xi32, #tpu.memory_space<vmem>>) target_semaphore(%arg25 : memref<!tpu.dma_semaphore, #tpu.memory_space<semaphore_mem>>)
      } else {
      }
      %mul3A_431 = arith.constant 8 : i32
      %mul3A_432 = arith.muli %mul3A_431, %scan3A_145 : i32
      %add3A_433 = arith.constant 6 : i32
      %add3A_434 = arith.addi %mul3A_432, %add3A_433 : i32
      %dma_wait3A_435 = arith.constant 0 : i32
      %dma_wait3A_436 = arith.constant 0 : i32
      %dma_wait3A_437 = tpu.memref_slice %arg14[%dma_wait3A_435, %dma_wait3A_436] : memref<2x24xi32, #tpu.memory_space<vmem>> -> memref<1x24xi32, #tpu.memory_space<vmem>>
      %dma_wait3A_438 = tpu.memref_squeeze %dma_wait3A_437 : memref<1x24xi32, #tpu.memory_space<vmem>> -> memref<24xi32, #tpu.memory_space<vmem>>
      %dma_wait3A_439 = arith.constant 0 : i32
      %dma_wait3A_440 = arith.constant 0 : i32
      %dma_wait3A_441 = tpu.memref_slice %arg20[%dma_wait3A_439, %dma_wait3A_440] : memref<10000x192xbf16, #tpu.memory_space<vmem_shared>> -> memref<10000x192xbf16, #tpu.memory_space<vmem_shared>>
      tpu.wait_indirect_dma semaphore(%arg32 : memref<!tpu.dma_semaphore, #tpu.memory_space<semaphore_mem>>) src(%dma_wait3A_441 : memref<10000x192xbf16, #tpu.memory_space<vmem_shared>>) dst(%arg18 : memref<24x192xbf16, #tpu.memory_space<vmem>>)
      %dma_start3A_442 = arith.constant 1 : i32
      %dma_start3A_443 = arith.constant 0 : i32
      %dma_start3A_444 = tpu.memref_slice %arg14[%dma_start3A_442, %dma_start3A_443] : memref<2x24xi32, #tpu.memory_space<vmem>> -> memref<1x24xi32, #tpu.memory_space<vmem>>
      %dma_start3A_445 = tpu.memref_squeeze %dma_start3A_444 : memref<1x24xi32, #tpu.memory_space<vmem>> -> memref<24xi32, #tpu.memory_space<vmem>>
      %dma_start3A_446 = arith.constant 0 : i32
      %dma_start3A_447 = arith.constant 0 : i32
      %dma_start3A_448 = tpu.memref_slice %arg21[%dma_start3A_446, %dma_start3A_447] : memref<10016x192xbf16, #tpu.memory_space<vmem_shared>> -> memref<10016x192xbf16, #tpu.memory_space<vmem_shared>>
      tpu.enqueue_indirect_dma source(%arg18 : memref<24x192xbf16, #tpu.memory_space<vmem>>) target(%dma_start3A_448 : memref<10016x192xbf16, #tpu.memory_space<vmem_shared>>) offsets(%dma_start3A_445 : memref<24xi32, #tpu.memory_space<vmem>>) semaphore(%arg36 : memref<!tpu.dma_semaphore, #tpu.memory_space<semaphore_mem>>) {add = true}
      %dma_wait3A_449 = arith.constant 1 : i32
      %dma_wait3A_450 = arith.constant 0 : i32
      %dma_wait3A_451 = tpu.memref_slice %arg13[%dma_wait3A_449, %dma_wait3A_450] : memref<2x24xi32, #tpu.memory_space<vmem>> -> memref<1x24xi32, #tpu.memory_space<vmem>>
      %dma_wait3A_452 = tpu.memref_squeeze %dma_wait3A_451 : memref<1x24xi32, #tpu.memory_space<vmem>> -> memref<24xi32, #tpu.memory_space<vmem>>
      %dma_wait3A_453 = arith.constant 0 : i32
      %dma_wait3A_454 = arith.constant 0 : i32
      %dma_wait3A_455 = tpu.memref_slice %arg21[%dma_wait3A_453, %dma_wait3A_454] : memref<10016x192xbf16, #tpu.memory_space<vmem_shared>> -> memref<10016x192xbf16, #tpu.memory_space<vmem_shared>>
      tpu.wait_indirect_dma semaphore(%arg35 : memref<!tpu.dma_semaphore, #tpu.memory_space<semaphore_mem>>) src(%arg17 : memref<24x192xbf16, #tpu.memory_space<vmem>>) dst(%dma_wait3A_455 : memref<10016x192xbf16, #tpu.memory_space<vmem_shared>>)
      %add3A_456 = arith.constant 3 : i32
      %add3A_457 = arith.addi %add3A_434, %add3A_456 : i32
      %lt3A_458 = arith.constant 840 : i32
      %lt3A_459 = arith.cmpi slt, %add3A_457, %lt3A_458 : i32
      %convert_element_type3A_460 = arith.extui %lt3A_459 : i1 to i32
      %cond3A_461 = arith.constant 0 : i32
      %cond3A_462 = arith.cmpi ne, %convert_element_type3A_460, %cond3A_461 : i32
      scf.if %cond3A_462 {
        %add3A_509 = arith.constant 3 : i32
        %add3A_510 = arith.addi %add3A_434, %add3A_509 : i32
        %dma_wait3A_511 = arith.constant 0 : i32
        %dma_wait3A_512 = arith.constant 0 : i32
        %dma_wait3A_513 = tpu.memref_slice %arg2[%arg1, %add3A_510, %dma_wait3A_511, %dma_wait3A_512] : memref<16x840x2x24xi32, #tpu.memory_space<hbm>> -> memref<1x1x2x24xi32, #tpu.memory_space<hbm>>
        %dma_wait3A_514 = tpu.memref_squeeze %dma_wait3A_513 : memref<1x1x2x24xi32, #tpu.memory_space<hbm>> -> memref<2x24xi32, #tpu.memory_space<hbm>>
        %dma_wait3A_515 = arith.constant 0 : i32
        %dma_wait3A_516 = arith.constant 0 : i32
        %dma_wait3A_517 = tpu.memref_slice %arg2[%arg1, %add3A_510, %dma_wait3A_515, %dma_wait3A_516] : memref<16x840x2x24xi32, #tpu.memory_space<hbm>> -> memref<1x1x2x24xi32, #tpu.memory_space<hbm>>
        %dma_wait3A_518 = tpu.memref_squeeze %dma_wait3A_517 : memref<1x1x2x24xi32, #tpu.memory_space<hbm>> -> memref<2x24xi32, #tpu.memory_space<hbm>>
        tpu.wait_dma2 semaphore(%arg23 : memref<!tpu.dma_semaphore, #tpu.memory_space<semaphore_mem>>) src(%dma_wait3A_518 : memref<2x24xi32, #tpu.memory_space<hbm>>) dst(%arg9 : memref<2x24xi32, #tpu.memory_space<vmem>>)
        %dma_start3A_519 = arith.constant 0 : i32
        %dma_start3A_520 = arith.constant 0 : i32
        %dma_start3A_521 = tpu.memref_slice %arg9[%dma_start3A_519, %dma_start3A_520] : memref<2x24xi32, #tpu.memory_space<vmem>> -> memref<1x24xi32, #tpu.memory_space<vmem>>
        %dma_start3A_522 = tpu.memref_squeeze %dma_start3A_521 : memref<1x24xi32, #tpu.memory_space<vmem>> -> memref<24xi32, #tpu.memory_space<vmem>>
        %dma_start3A_523 = arith.constant 0 : i32
        %dma_start3A_524 = arith.constant 0 : i32
        %dma_start3A_525 = tpu.memref_slice %arg20[%dma_start3A_523, %dma_start3A_524] : memref<10000x192xbf16, #tpu.memory_space<vmem_shared>> -> memref<10000x192xbf16, #tpu.memory_space<vmem_shared>>
        tpu.enqueue_indirect_dma source(%dma_start3A_525 : memref<10000x192xbf16, #tpu.memory_space<vmem_shared>>) target(%arg17 : memref<24x192xbf16, #tpu.memory_space<vmem>>) offsets(%dma_start3A_522 : memref<24xi32, #tpu.memory_space<vmem>>) semaphore(%arg31 : memref<!tpu.dma_semaphore, #tpu.memory_space<semaphore_mem>>)
      } else {
      }
      %add3A_463 = arith.constant 6 : i32
      %add3A_464 = arith.addi %add3A_434, %add3A_463 : i32
      %lt3A_465 = arith.constant 840 : i32
      %lt3A_466 = arith.cmpi slt, %add3A_464, %lt3A_465 : i32
      %convert_element_type3A_467 = arith.extui %lt3A_466 : i1 to i32
      %cond3A_468 = arith.constant 0 : i32
      %cond3A_469 = arith.cmpi ne, %convert_element_type3A_467, %cond3A_468 : i32
      scf.if %cond3A_469 {
        %add3A_509 = arith.constant 6 : i32
        %add3A_510 = arith.addi %add3A_434, %add3A_509 : i32
        %dma_start3A_511 = arith.constant 0 : i32
        %dma_start3A_512 = arith.constant 0 : i32
        %dma_start3A_513 = tpu.memref_slice %arg2[%arg1, %add3A_510, %dma_start3A_511, %dma_start3A_512] : memref<16x840x2x24xi32, #tpu.memory_space<hbm>> -> memref<1x1x2x24xi32, #tpu.memory_space<hbm>>
        %dma_start3A_514 = tpu.memref_squeeze %dma_start3A_513 : memref<1x1x2x24xi32, #tpu.memory_space<hbm>> -> memref<2x24xi32, #tpu.memory_space<hbm>>
        %dma_start3A_515 = arith.constant 0 : i32
        %dma_start3A_516 = arith.constant 0 : i32
        %dma_start3A_517 = tpu.memref_slice %arg2[%arg1, %add3A_510, %dma_start3A_515, %dma_start3A_516] : memref<16x840x2x24xi32, #tpu.memory_space<hbm>> -> memref<1x1x2x24xi32, #tpu.memory_space<hbm>>
        %dma_start3A_518 = tpu.memref_squeeze %dma_start3A_517 : memref<1x1x2x24xi32, #tpu.memory_space<hbm>> -> memref<2x24xi32, #tpu.memory_space<hbm>>
        tpu.enqueue_dma source(%dma_start3A_518 : memref<2x24xi32, #tpu.memory_space<hbm>>) target(%arg12 : memref<2x24xi32, #tpu.memory_space<vmem>>) target_semaphore(%arg26 : memref<!tpu.dma_semaphore, #tpu.memory_space<semaphore_mem>>)
      } else {
      }
      %mul3A_470 = arith.constant 8 : i32
      %mul3A_471 = arith.muli %mul3A_470, %scan3A_145 : i32
      %add3A_472 = arith.constant 7 : i32
      %add3A_473 = arith.addi %mul3A_471, %add3A_472 : i32
      %dma_wait3A_474 = arith.constant 0 : i32
      %dma_wait3A_475 = arith.constant 0 : i32
      %dma_wait3A_476 = tpu.memref_slice %arg15[%dma_wait3A_474, %dma_wait3A_475] : memref<2x24xi32, #tpu.memory_space<vmem>> -> memref<1x24xi32, #tpu.memory_space<vmem>>
      %dma_wait3A_477 = tpu.memref_squeeze %dma_wait3A_476 : memref<1x24xi32, #tpu.memory_space<vmem>> -> memref<24xi32, #tpu.memory_space<vmem>>
      %dma_wait3A_478 = arith.constant 0 : i32
      %dma_wait3A_479 = arith.constant 0 : i32
      %dma_wait3A_480 = tpu.memref_slice %arg20[%dma_wait3A_478, %dma_wait3A_479] : memref<10000x192xbf16, #tpu.memory_space<vmem_shared>> -> memref<10000x192xbf16, #tpu.memory_space<vmem_shared>>
      tpu.wait_indirect_dma semaphore(%arg33 : memref<!tpu.dma_semaphore, #tpu.memory_space<semaphore_mem>>) src(%dma_wait3A_480 : memref<10000x192xbf16, #tpu.memory_space<vmem_shared>>) dst(%arg19 : memref<24x192xbf16, #tpu.memory_space<vmem>>)
      %dma_start3A_481 = arith.constant 1 : i32
      %dma_start3A_482 = arith.constant 0 : i32
      %dma_start3A_483 = tpu.memref_slice %arg15[%dma_start3A_481, %dma_start3A_482] : memref<2x24xi32, #tpu.memory_space<vmem>> -> memref<1x24xi32, #tpu.memory_space<vmem>>
      %dma_start3A_484 = tpu.memref_squeeze %dma_start3A_483 : memref<1x24xi32, #tpu.memory_space<vmem>> -> memref<24xi32, #tpu.memory_space<vmem>>
      %dma_start3A_485 = arith.constant 0 : i32
      %dma_start3A_486 = arith.constant 0 : i32
      %dma_start3A_487 = tpu.memref_slice %arg21[%dma_start3A_485, %dma_start3A_486] : memref<10016x192xbf16, #tpu.memory_space<vmem_shared>> -> memref<10016x192xbf16, #tpu.memory_space<vmem_shared>>
      tpu.enqueue_indirect_dma source(%arg19 : memref<24x192xbf16, #tpu.memory_space<vmem>>) target(%dma_start3A_487 : memref<10016x192xbf16, #tpu.memory_space<vmem_shared>>) offsets(%dma_start3A_484 : memref<24xi32, #tpu.memory_space<vmem>>) semaphore(%arg37 : memref<!tpu.dma_semaphore, #tpu.memory_space<semaphore_mem>>) {add = true}
      %dma_wait3A_488 = arith.constant 1 : i32
      %dma_wait3A_489 = arith.constant 0 : i32
      %dma_wait3A_490 = tpu.memref_slice %arg14[%dma_wait3A_488, %dma_wait3A_489] : memref<2x24xi32, #tpu.memory_space<vmem>> -> memref<1x24xi32, #tpu.memory_space<vmem>>
      %dma_wait3A_491 = tpu.memref_squeeze %dma_wait3A_490 : memref<1x24xi32, #tpu.memory_space<vmem>> -> memref<24xi32, #tpu.memory_space<vmem>>
      %dma_wait3A_492 = arith.constant 0 : i32
      %dma_wait3A_493 = arith.constant 0 : i32
      %dma_wait3A_494 = tpu.memref_slice %arg21[%dma_wait3A_492, %dma_wait3A_493] : memref<10016x192xbf16, #tpu.memory_space<vmem_shared>> -> memref<10016x192xbf16, #tpu.memory_space<vmem_shared>>
      tpu.wait_indirect_dma semaphore(%arg36 : memref<!tpu.dma_semaphore, #tpu.memory_space<semaphore_mem>>) src(%arg18 : memref<24x192xbf16, #tpu.memory_space<vmem>>) dst(%dma_wait3A_494 : memref<10016x192xbf16, #tpu.memory_space<vmem_shared>>)
      %add3A_495 = arith.constant 3 : i32
      %add3A_496 = arith.addi %add3A_473, %add3A_495 : i32
      %lt3A_497 = arith.constant 840 : i32
      %lt3A_498 = arith.cmpi slt, %add3A_496, %lt3A_497 : i32
      %convert_element_type3A_499 = arith.extui %lt3A_498 : i1 to i32
      %cond3A_500 = arith.constant 0 : i32
      %cond3A_501 = arith.cmpi ne, %convert_element_type3A_499, %cond3A_500 : i32
      scf.if %cond3A_501 {
        %add3A_509 = arith.constant 3 : i32
        %add3A_510 = arith.addi %add3A_473, %add3A_509 : i32
        %dma_wait3A_511 = arith.constant 0 : i32
        %dma_wait3A_512 = arith.constant 0 : i32
        %dma_wait3A_513 = tpu.memref_slice %arg2[%arg1, %add3A_510, %dma_wait3A_511, %dma_wait3A_512] : memref<16x840x2x24xi32, #tpu.memory_space<hbm>> -> memref<1x1x2x24xi32, #tpu.memory_space<hbm>>
        %dma_wait3A_514 = tpu.memref_squeeze %dma_wait3A_513 : memref<1x1x2x24xi32, #tpu.memory_space<hbm>> -> memref<2x24xi32, #tpu.memory_space<hbm>>
        %dma_wait3A_515 = arith.constant 0 : i32
        %dma_wait3A_516 = arith.constant 0 : i32
        %dma_wait3A_517 = tpu.memref_slice %arg2[%arg1, %add3A_510, %dma_wait3A_515, %dma_wait3A_516] : memref<16x840x2x24xi32, #tpu.memory_space<hbm>> -> memref<1x1x2x24xi32, #tpu.memory_space<hbm>>
        %dma_wait3A_518 = tpu.memref_squeeze %dma_wait3A_517 : memref<1x1x2x24xi32, #tpu.memory_space<hbm>> -> memref<2x24xi32, #tpu.memory_space<hbm>>
        tpu.wait_dma2 semaphore(%arg24 : memref<!tpu.dma_semaphore, #tpu.memory_space<semaphore_mem>>) src(%dma_wait3A_518 : memref<2x24xi32, #tpu.memory_space<hbm>>) dst(%arg10 : memref<2x24xi32, #tpu.memory_space<vmem>>)
        %dma_start3A_519 = arith.constant 0 : i32
        %dma_start3A_520 = arith.constant 0 : i32
        %dma_start3A_521 = tpu.memref_slice %arg10[%dma_start3A_519, %dma_start3A_520] : memref<2x24xi32, #tpu.memory_space<vmem>> -> memref<1x24xi32, #tpu.memory_space<vmem>>
        %dma_start3A_522 = tpu.memref_squeeze %dma_start3A_521 : memref<1x24xi32, #tpu.memory_space<vmem>> -> memref<24xi32, #tpu.memory_space<vmem>>
        %dma_start3A_523 = arith.constant 0 : i32
        %dma_start3A_524 = arith.constant 0 : i32
        %dma_start3A_525 = tpu.memref_slice %arg20[%dma_start3A_523, %dma_start3A_524] : memref<10000x192xbf16, #tpu.memory_space<vmem_shared>> -> memref<10000x192xbf16, #tpu.memory_space<vmem_shared>>
        tpu.enqueue_indirect_dma source(%dma_start3A_525 : memref<10000x192xbf16, #tpu.memory_space<vmem_shared>>) target(%arg18 : memref<24x192xbf16, #tpu.memory_space<vmem>>) offsets(%dma_start3A_522 : memref<24xi32, #tpu.memory_space<vmem>>) semaphore(%arg32 : memref<!tpu.dma_semaphore, #tpu.memory_space<semaphore_mem>>)
      } else {
      }
      %add3A_502 = arith.constant 6 : i32
      %add3A_503 = arith.addi %add3A_473, %add3A_502 : i32
      %lt3A_504 = arith.constant 840 : i32
      %lt3A_505 = arith.cmpi slt, %add3A_503, %lt3A_504 : i32
      %convert_element_type3A_506 = arith.extui %lt3A_505 : i1 to i32
      %cond3A_507 = arith.constant 0 : i32
      %cond3A_508 = arith.cmpi ne, %convert_element_type3A_506, %cond3A_507 : i32
      scf.if %cond3A_508 {
        %add3A_509 = arith.constant 6 : i32
        %add3A_510 = arith.addi %add3A_473, %add3A_509 : i32
        %dma_start3A_511 = arith.constant 0 : i32
        %dma_start3A_512 = arith.constant 0 : i32
        %dma_start3A_513 = tpu.memref_slice %arg2[%arg1, %add3A_510, %dma_start3A_511, %dma_start3A_512] : memref<16x840x2x24xi32, #tpu.memory_space<hbm>> -> memref<1x1x2x24xi32, #tpu.memory_space<hbm>>
        %dma_start3A_514 = tpu.memref_squeeze %dma_start3A_513 : memref<1x1x2x24xi32, #tpu.memory_space<hbm>> -> memref<2x24xi32, #tpu.memory_space<hbm>>
        %dma_start3A_515 = arith.constant 0 : i32
        %dma_start3A_516 = arith.constant 0 : i32
        %dma_start3A_517 = tpu.memref_slice %arg2[%arg1, %add3A_510, %dma_start3A_515, %dma_start3A_516] : memref<16x840x2x24xi32, #tpu.memory_space<hbm>> -> memref<1x1x2x24xi32, #tpu.memory_space<hbm>>
        %dma_start3A_518 = tpu.memref_squeeze %dma_start3A_517 : memref<1x1x2x24xi32, #tpu.memory_space<hbm>> -> memref<2x24xi32, #tpu.memory_space<hbm>>
        tpu.enqueue_dma source(%dma_start3A_518 : memref<2x24xi32, #tpu.memory_space<hbm>>) target(%arg13 : memref<2x24xi32, #tpu.memory_space<vmem>>) target_semaphore(%arg27 : memref<!tpu.dma_semaphore, #tpu.memory_space<semaphore_mem>>)
      } else {
      }
    }
    %scan3A_126 = arith.constant 105 : i32
    %dma_wait3A_127 = arith.constant 1 : i32
    %dma_wait3A_128 = arith.constant 0 : i32
    %dma_wait3A_129 = tpu.memref_slice %arg15[%dma_wait3A_127, %dma_wait3A_128] : memref<2x24xi32, #tpu.memory_space<vmem>> -> memref<1x24xi32, #tpu.memory_space<vmem>>
    %dma_wait3A_130 = tpu.memref_squeeze %dma_wait3A_129 : memref<1x24xi32, #tpu.memory_space<vmem>> -> memref<24xi32, #tpu.memory_space<vmem>>
    %dma_wait3A_131 = arith.constant 0 : i32
    %dma_wait3A_132 = arith.constant 0 : i32
    %dma_wait3A_133 = tpu.memref_slice %arg21[%dma_wait3A_131, %dma_wait3A_132] : memref<10016x192xbf16, #tpu.memory_space<vmem_shared>> -> memref<10016x192xbf16, #tpu.memory_space<vmem_shared>>
    tpu.wait_indirect_dma semaphore(%arg37 : memref<!tpu.dma_semaphore, #tpu.memory_space<semaphore_mem>>) src(%arg19 : memref<24x192xbf16, #tpu.memory_space<vmem>>) dst(%dma_wait3A_133 : memref<10016x192xbf16, #tpu.memory_space<vmem_shared>>)
    %barrier3A_134 = arith.constant 0 : index
    tpu.barrier barrier_id(%barrier3A_134)
    %eq3A_135 = arith.constant 0 : i32
    %eq3A_136 = arith.cmpi eq, %arg0, %eq3A_135 : i32
    %convert_element_type3A_137 = arith.extui %eq3A_136 : i1 to i32
    %cond3A_138 = arith.constant 0 : i32
    %cond3A_139 = arith.cmpi ne, %convert_element_type3A_137, %cond3A_138 : i32
    scf.if %cond3A_139 {
      %mul3A_145 = arith.constant 625 : i32
      %mul3A_146 = arith.muli %arg1, %mul3A_145 : i32
      %mul3A_147 = arith.constant 625 : i32
      %mul3A_148 = arith.muli %arg1, %mul3A_147 : i32
      "tpu.region"() ({
        %run_scoped3A = tpu.sem_alloc : memref<!tpu.dma_semaphore, #tpu.memory_space<semaphore_mem>>
        %dma_start3A_149 = arith.constant 0 : i32
        %dma_start3A_150 = tpu.memref_slice %arg6[%mul3A_148, %dma_start3A_149] : memref<10000x192xbf16, #tpu.memory_space<hbm>> -> memref<625x192xbf16, #tpu.memory_space<hbm>>
        %dma_start3A_151 = arith.constant 0 : i32
        %dma_start3A_152 = tpu.memref_slice %arg21[%mul3A_146, %dma_start3A_151] : memref<10016x192xbf16, #tpu.memory_space<vmem_shared>> -> memref<625x192xbf16, #tpu.memory_space<vmem_shared>>
        tpu.enqueue_dma source(%dma_start3A_152 : memref<625x192xbf16, #tpu.memory_space<vmem_shared>>) target(%dma_start3A_150 : memref<625x192xbf16, #tpu.memory_space<hbm>>) target_semaphore(%run_scoped3A : memref<!tpu.dma_semaphore, #tpu.memory_space<semaphore_mem>>)
        %dma_wait3A_153 = arith.constant 0 : i32
        %dma_wait3A_154 = tpu.memref_slice %arg6[%mul3A_148, %dma_wait3A_153] : memref<10000x192xbf16, #tpu.memory_space<hbm>> -> memref<625x192xbf16, #tpu.memory_space<hbm>>
        %dma_wait3A_155 = arith.constant 0 : i32
        %dma_wait3A_156 = tpu.memref_slice %arg21[%mul3A_146, %dma_wait3A_155] : memref<10016x192xbf16, #tpu.memory_space<vmem_shared>> -> memref<625x192xbf16, #tpu.memory_space<vmem_shared>>
        tpu.wait_dma2 semaphore(%run_scoped3A : memref<!tpu.dma_semaphore, #tpu.memory_space<semaphore_mem>>) src(%dma_wait3A_156 : memref<625x192xbf16, #tpu.memory_space<vmem_shared>>) dst(%dma_wait3A_154 : memref<625x192xbf16, #tpu.memory_space<hbm>>)
        tpu.yield
      }) : () -> ()
    } else {
    }
    %eq3A_140 = arith.constant 1 : i32
    %eq3A_141 = arith.cmpi eq, %arg0, %eq3A_140 : i32
    %convert_element_type3A_142 = arith.extui %eq3A_141 : i1 to i32
    %cond3A_143 = arith.constant 0 : i32
    %cond3A_144 = arith.cmpi ne, %convert_element_type3A_142, %cond3A_143 : i32
    scf.if %cond3A_144 {
      %mul3A_145 = arith.constant 625 : i32
      %mul3A_146 = arith.muli %arg1, %mul3A_145 : i32
      %mul3A_147 = arith.constant 625 : i32
      %mul3A_148 = arith.muli %arg1, %mul3A_147 : i32
      "tpu.region"() ({
        %run_scoped3A = tpu.sem_alloc : memref<!tpu.dma_semaphore, #tpu.memory_space<semaphore_mem>>
        %dma_start3A_149 = arith.constant 0 : i32
        %dma_start3A_150 = tpu.memref_slice %arg7[%mul3A_148, %dma_start3A_149] : memref<10000x192xbf16, #tpu.memory_space<hbm>> -> memref<625x192xbf16, #tpu.memory_space<hbm>>
        %dma_start3A_151 = arith.constant 0 : i32
        %dma_start3A_152 = tpu.memref_slice %arg21[%mul3A_146, %dma_start3A_151] : memref<10016x192xbf16, #tpu.memory_space<vmem_shared>> -> memref<625x192xbf16, #tpu.memory_space<vmem_shared>>
        tpu.enqueue_dma source(%dma_start3A_152 : memref<625x192xbf16, #tpu.memory_space<vmem_shared>>) target(%dma_start3A_150 : memref<625x192xbf16, #tpu.memory_space<hbm>>) target_semaphore(%run_scoped3A : memref<!tpu.dma_semaphore, #tpu.memory_space<semaphore_mem>>)
        %dma_wait3A_153 = arith.constant 0 : i32
        %dma_wait3A_154 = tpu.memref_slice %arg7[%mul3A_148, %dma_wait3A_153] : memref<10000x192xbf16, #tpu.memory_space<hbm>> -> memref<625x192xbf16, #tpu.memory_space<hbm>>
        %dma_wait3A_155 = arith.constant 0 : i32
        %dma_wait3A_156 = tpu.memref_slice %arg21[%mul3A_146, %dma_wait3A_155] : memref<10016x192xbf16, #tpu.memory_space<vmem_shared>> -> memref<625x192xbf16, #tpu.memory_space<vmem_shared>>
        tpu.wait_dma2 semaphore(%run_scoped3A : memref<!tpu.dma_semaphore, #tpu.memory_space<semaphore_mem>>) src(%dma_wait3A_156 : memref<625x192xbf16, #tpu.memory_space<vmem_shared>>) dst(%dma_wait3A_154 : memref<625x192xbf16, #tpu.memory_space<hbm>>)
        tpu.yield
      }) : () -> ()
    } else {
    }
    return
  }
}

#map = affine_map<(d0, d1) -> (0, 0, 0)>
#map1 = affine_map<(d0, d1) -> (0, 0)>
module attributes {stable_mosaic.version = 14 : i64} {
  func.func @_sc_deg_body(%arg0: i32, %arg1: i32, %arg2: memref<16x157x128xi32, #tpu.memory_space<hbm>>, %arg3: memref<128x16xf32, #tpu.memory_space<hbm>>, %arg4: memref<640x16xf32, #tpu.memory_space<hbm>>, %arg5: memref<10240x16xf32, #tpu.memory_space<hbm>>, %arg6: memref<157x128xi32, #tpu.memory_space<vmem>>, %arg7: memref<128x16xf32, #tpu.memory_space<vmem>>, %arg8: memref<10240x16xf32, #tpu.memory_space<vmem_shared>>) attributes {dimension_semantics = [#tpu.dimension_semantics<core_parallel>, #tpu.dimension_semantics<subcore_parallel>], iteration_bounds = array<i64: 2, 16>, scalar_prefetch = 0 : i64, scratch_operands = 3 : i64, tpu.core_type = #tpu.core_type<sc_vector_subcore>, window_params = [{transform_indices = #map}, {transform_indices = #map1}, {transform_indices = #map1}, {transform_indices = #map1}]} {
    %mul3A = arith.constant 640 : i32
    %mul3A_0 = arith.muli %arg1, %mul3A : i32
    "tpu.region"() ({
      %run_scoped3A = tpu.sem_alloc : memref<!tpu.dma_semaphore, #tpu.memory_space<semaphore_mem>>
      %dma_start3A = arith.constant 0 : i32
      %dma_start3A_9 = tpu.memref_slice %arg8[%mul3A_0, %dma_start3A] : memref<10240x16xf32, #tpu.memory_space<vmem_shared>> -> memref<640x16xf32, #tpu.memory_space<vmem_shared>>
      tpu.enqueue_dma source(%arg4 : memref<640x16xf32, #tpu.memory_space<hbm>>) target(%dma_start3A_9 : memref<640x16xf32, #tpu.memory_space<vmem_shared>>) target_semaphore(%run_scoped3A : memref<!tpu.dma_semaphore, #tpu.memory_space<semaphore_mem>>)
      %dma_wait3A = arith.constant 0 : i32
      %dma_wait3A_10 = tpu.memref_slice %arg8[%mul3A_0, %dma_wait3A] : memref<10240x16xf32, #tpu.memory_space<vmem_shared>> -> memref<640x16xf32, #tpu.memory_space<vmem_shared>>
      tpu.wait_dma2 semaphore(%run_scoped3A : memref<!tpu.dma_semaphore, #tpu.memory_space<semaphore_mem>>) src(%arg4 : memref<640x16xf32, #tpu.memory_space<hbm>>) dst(%dma_wait3A_10 : memref<640x16xf32, #tpu.memory_space<vmem_shared>>)
      tpu.yield
    }) : () -> ()
    "tpu.region"() ({
      %run_scoped3A = tpu.sem_alloc : memref<!tpu.dma_semaphore, #tpu.memory_space<semaphore_mem>>
      %dma_start3A = arith.constant 0 : i32
      %dma_start3A_9 = arith.constant 0 : i32
      %dma_start3A_10 = tpu.memref_slice %arg2[%arg1, %dma_start3A, %dma_start3A_9] : memref<16x157x128xi32, #tpu.memory_space<hbm>> -> memref<1x157x128xi32, #tpu.memory_space<hbm>>
      %dma_start3A_11 = tpu.memref_squeeze %dma_start3A_10 : memref<1x157x128xi32, #tpu.memory_space<hbm>> -> memref<157x128xi32, #tpu.memory_space<hbm>>
      %dma_start3A_12 = arith.constant 0 : i32
      %dma_start3A_13 = arith.constant 0 : i32
      %dma_start3A_14 = tpu.memref_slice %arg2[%arg1, %dma_start3A_12, %dma_start3A_13] : memref<16x157x128xi32, #tpu.memory_space<hbm>> -> memref<1x157x128xi32, #tpu.memory_space<hbm>>
      %dma_start3A_15 = tpu.memref_squeeze %dma_start3A_14 : memref<1x157x128xi32, #tpu.memory_space<hbm>> -> memref<157x128xi32, #tpu.memory_space<hbm>>
      tpu.enqueue_dma source(%dma_start3A_15 : memref<157x128xi32, #tpu.memory_space<hbm>>) target(%arg6 : memref<157x128xi32, #tpu.memory_space<vmem>>) target_semaphore(%run_scoped3A : memref<!tpu.dma_semaphore, #tpu.memory_space<semaphore_mem>>)
      %dma_wait3A = arith.constant 0 : i32
      %dma_wait3A_16 = arith.constant 0 : i32
      %dma_wait3A_17 = tpu.memref_slice %arg2[%arg1, %dma_wait3A, %dma_wait3A_16] : memref<16x157x128xi32, #tpu.memory_space<hbm>> -> memref<1x157x128xi32, #tpu.memory_space<hbm>>
      %dma_wait3A_18 = tpu.memref_squeeze %dma_wait3A_17 : memref<1x157x128xi32, #tpu.memory_space<hbm>> -> memref<157x128xi32, #tpu.memory_space<hbm>>
      %dma_wait3A_19 = arith.constant 0 : i32
      %dma_wait3A_20 = arith.constant 0 : i32
      %dma_wait3A_21 = tpu.memref_slice %arg2[%arg1, %dma_wait3A_19, %dma_wait3A_20] : memref<16x157x128xi32, #tpu.memory_space<hbm>> -> memref<1x157x128xi32, #tpu.memory_space<hbm>>
      %dma_wait3A_22 = tpu.memref_squeeze %dma_wait3A_21 : memref<1x157x128xi32, #tpu.memory_space<hbm>> -> memref<157x128xi32, #tpu.memory_space<hbm>>
      tpu.wait_dma2 semaphore(%run_scoped3A : memref<!tpu.dma_semaphore, #tpu.memory_space<semaphore_mem>>) src(%dma_wait3A_22 : memref<157x128xi32, #tpu.memory_space<hbm>>) dst(%arg6 : memref<157x128xi32, #tpu.memory_space<vmem>>)
      tpu.yield
    }) : () -> ()
    "tpu.region"() ({
      %run_scoped3A = tpu.sem_alloc : memref<!tpu.dma_semaphore, #tpu.memory_space<semaphore_mem>>
      tpu.enqueue_dma source(%arg3 : memref<128x16xf32, #tpu.memory_space<hbm>>) target(%arg7 : memref<128x16xf32, #tpu.memory_space<vmem>>) target_semaphore(%run_scoped3A : memref<!tpu.dma_semaphore, #tpu.memory_space<semaphore_mem>>)
      tpu.wait_dma2 semaphore(%run_scoped3A : memref<!tpu.dma_semaphore, #tpu.memory_space<semaphore_mem>>) src(%arg3 : memref<128x16xf32, #tpu.memory_space<hbm>>) dst(%arg7 : memref<128x16xf32, #tpu.memory_space<vmem>>)
      tpu.yield
    }) : () -> ()
    %barrier3A = arith.constant 0 : index
    tpu.barrier barrier_id(%barrier3A)
    %scan3A = arith.constant 0 : i32
    %scan3A_1 = arith.constant 0 : i32
    %scan3A_2 = arith.constant 157 : i32
    %scan3A_3 = arith.addi %scan3A_1, %scan3A_2 : i32
    %scan3A_4 = arith.constant 1 : i32
    scf.for %scan3A_9 = %scan3A_1 to %scan3A_3 step %scan3A_4  : i32 {
      "tpu.region"() ({
        %run_scoped3A = tpu.sem_alloc : memref<!tpu.dma_semaphore, #tpu.memory_space<semaphore_mem>>
        %dma_start3A = arith.constant 0 : i32
        %dma_start3A_10 = tpu.memref_slice %arg6[%scan3A_9, %dma_start3A] : memref<157x128xi32, #tpu.memory_space<vmem>> -> memref<1x128xi32, #tpu.memory_space<vmem>>
        %dma_start3A_11 = tpu.memref_squeeze %dma_start3A_10 : memref<1x128xi32, #tpu.memory_space<vmem>> -> memref<128xi32, #tpu.memory_space<vmem>>
        %dma_start3A_12 = arith.constant 0 : i32
        %dma_start3A_13 = arith.constant 0 : i32
        %dma_start3A_14 = tpu.memref_slice %arg8[%dma_start3A_12, %dma_start3A_13] : memref<10240x16xf32, #tpu.memory_space<vmem_shared>> -> memref<10240x16xf32, #tpu.memory_space<vmem_shared>>
        tpu.enqueue_indirect_dma source(%arg7 : memref<128x16xf32, #tpu.memory_space<vmem>>) target(%dma_start3A_14 : memref<10240x16xf32, #tpu.memory_space<vmem_shared>>) offsets(%dma_start3A_11 : memref<128xi32, #tpu.memory_space<vmem>>) semaphore(%run_scoped3A : memref<!tpu.dma_semaphore, #tpu.memory_space<semaphore_mem>>) {add = true}
        %dma_wait3A = arith.constant 0 : i32
        %dma_wait3A_15 = tpu.memref_slice %arg6[%scan3A_9, %dma_wait3A] : memref<157x128xi32, #tpu.memory_space<vmem>> -> memref<1x128xi32, #tpu.memory_space<vmem>>
        %dma_wait3A_16 = tpu.memref_squeeze %dma_wait3A_15 : memref<1x128xi32, #tpu.memory_space<vmem>> -> memref<128xi32, #tpu.memory_space<vmem>>
        %dma_wait3A_17 = arith.constant 0 : i32
        %dma_wait3A_18 = arith.constant 0 : i32
        %dma_wait3A_19 = tpu.memref_slice %arg8[%dma_wait3A_17, %dma_wait3A_18] : memref<10240x16xf32, #tpu.memory_space<vmem_shared>> -> memref<10240x16xf32, #tpu.memory_space<vmem_shared>>
        tpu.wait_indirect_dma semaphore(%run_scoped3A : memref<!tpu.dma_semaphore, #tpu.memory_space<semaphore_mem>>) src(%arg7 : memref<128x16xf32, #tpu.memory_space<vmem>>) dst(%dma_wait3A_19 : memref<10240x16xf32, #tpu.memory_space<vmem_shared>>)
        tpu.yield
      }) : () -> ()
    }
    %scan3A_5 = arith.constant 157 : i32
    %barrier3A_6 = arith.constant 0 : index
    tpu.barrier barrier_id(%barrier3A_6)
    %eq3A = arith.constant 0 : i32
    %eq3A_7 = arith.cmpi eq, %arg0, %eq3A : i32
    %convert_element_type3A = arith.extui %eq3A_7 : i1 to i32
    %cond3A = arith.constant 0 : i32
    %cond3A_8 = arith.cmpi ne, %convert_element_type3A, %cond3A : i32
    scf.if %cond3A_8 {
      %mul3A_9 = arith.constant 640 : i32
      %mul3A_10 = arith.muli %arg1, %mul3A_9 : i32
      %mul3A_11 = arith.constant 640 : i32
      %mul3A_12 = arith.muli %arg1, %mul3A_11 : i32
      "tpu.region"() ({
        %run_scoped3A = tpu.sem_alloc : memref<!tpu.dma_semaphore, #tpu.memory_space<semaphore_mem>>
        %dma_start3A = arith.constant 0 : i32
        %dma_start3A_13 = tpu.memref_slice %arg5[%mul3A_12, %dma_start3A] : memref<10240x16xf32, #tpu.memory_space<hbm>> -> memref<640x16xf32, #tpu.memory_space<hbm>>
        %dma_start3A_14 = arith.constant 0 : i32
        %dma_start3A_15 = tpu.memref_slice %arg8[%mul3A_10, %dma_start3A_14] : memref<10240x16xf32, #tpu.memory_space<vmem_shared>> -> memref<640x16xf32, #tpu.memory_space<vmem_shared>>
        tpu.enqueue_dma source(%dma_start3A_15 : memref<640x16xf32, #tpu.memory_space<vmem_shared>>) target(%dma_start3A_13 : memref<640x16xf32, #tpu.memory_space<hbm>>) target_semaphore(%run_scoped3A : memref<!tpu.dma_semaphore, #tpu.memory_space<semaphore_mem>>)
        %dma_wait3A = arith.constant 0 : i32
        %dma_wait3A_16 = tpu.memref_slice %arg5[%mul3A_12, %dma_wait3A] : memref<10240x16xf32, #tpu.memory_space<hbm>> -> memref<640x16xf32, #tpu.memory_space<hbm>>
        %dma_wait3A_17 = arith.constant 0 : i32
        %dma_wait3A_18 = tpu.memref_slice %arg8[%mul3A_10, %dma_wait3A_17] : memref<10240x16xf32, #tpu.memory_space<vmem_shared>> -> memref<640x16xf32, #tpu.memory_space<vmem_shared>>
        tpu.wait_dma2 semaphore(%run_scoped3A : memref<!tpu.dma_semaphore, #tpu.memory_space<semaphore_mem>>) src(%dma_wait3A_18 : memref<640x16xf32, #tpu.memory_space<vmem_shared>>) dst(%dma_wait3A_16 : memref<640x16xf32, #tpu.memory_space<hbm>>)
        tpu.yield
      }) : () -> ()
    } else {
    }
    return
  }
}

module attributes {stable_mosaic.version = 14 : i64} {
  func.func @_tc_init_body(%arg0: i32, %arg1: memref<1000x128xf32, #tpu.memory_space<vmem>>, %arg2: memref<1000x192xbf16, #tpu.memory_space<vmem>>, %arg3: memref<1000x192xbf16, #tpu.memory_space<vmem>>) attributes {dimension_semantics = [#tpu.dimension_semantics<arbitrary>], iteration_bounds = array<i64: 10>, scalar_prefetch = 0 : i64, scratch_operands = 0 : i64, tpu.core_type = #tpu.core_type<tc>, window_params = [{transform_indices = @transform_0, window_bounds = array<i64: 1000, 128>}, {transform_indices = @transform_1, window_bounds = array<i64: 1000, 192>}, {transform_indices = @transform_2, window_bounds = array<i64: 1000, 192>}]} {
    %get3A = arith.constant 0 : index
    %get3A_0 = arith.constant 0 : index
    %get3A_1 = vector.load %arg1[%get3A, %get3A_0] : memref<1000x128xf32, #tpu.memory_space<vmem>>, vector<1000x128xf32>
    %cos3A = math.cos %get3A_1 : vector<1000x128xf32>
    %slice3A = vector.extract_strided_slice %get3A_1 {offsets = [0, 0], sizes = [1000, 64], strides = [1, 1]} : vector<1000x128xf32> to vector<1000x64xf32>
    %concatenate3A = tpu.concatenate %cos3A, %slice3A in 1 : vector<1000x128xf32>, vector<1000x64xf32> -> vector<1000x192xf32>
    %convert_element_type3A = arith.truncf %concatenate3A : vector<1000x192xf32> to vector<1000x192xbf16>
    %swap3A = arith.constant 0 : index
    %swap3A_2 = arith.constant 0 : index
    %swap3A_3 = vector.load %arg2[%swap3A, %swap3A_2] : memref<1000x192xbf16, #tpu.memory_space<vmem>>, vector<1000x192xbf16>
    tpu.vector_store %arg2[%swap3A, %swap3A_2], %convert_element_type3A {strides = array<i32>} : memref<1000x192xbf16, #tpu.memory_space<vmem>>, vector<1000x192xbf16>,
    %sin3A = math.sin %get3A_1 : vector<1000x128xf32>
    %slice3A_4 = vector.extract_strided_slice %get3A_1 {offsets = [0, 64], sizes = [1000, 64], strides = [1, 1]} : vector<1000x128xf32> to vector<1000x64xf32>
    %concatenate3A_5 = tpu.concatenate %sin3A, %slice3A_4 in 1 : vector<1000x128xf32>, vector<1000x64xf32> -> vector<1000x192xf32>
    %convert_element_type3A_6 = arith.truncf %concatenate3A_5 : vector<1000x192xf32> to vector<1000x192xbf16>
    %swap3A_7 = arith.constant 0 : index
    %swap3A_8 = arith.constant 0 : index
    %swap3A_9 = vector.load %arg3[%swap3A_7, %swap3A_8] : memref<1000x192xbf16, #tpu.memory_space<vmem>>, vector<1000x192xbf16>
    tpu.vector_store %arg3[%swap3A_7, %swap3A_8], %convert_element_type3A_6 {strides = array<i32>} : memref<1000x192xbf16, #tpu.memory_space<vmem>>, vector<1000x192xbf16>,
    return
  }
  func.func @transform_0(%arg0: i32) -> (i32, i32) {
    %c0_i32 = arith.constant 0 : i32
    %c0_i32_0 = arith.constant 0 : i32
    return %arg0, %c0_i32 : i32, i32
  }
  func.func @transform_1(%arg0: i32) -> (i32, i32) {
    %c0_i32 = arith.constant 0 : i32
    %c0_i32_0 = arith.constant 0 : i32
    return %arg0, %c0_i32 : i32, i32
  }
  func.func @transform_2(%arg0: i32) -> (i32, i32) {
    %c0_i32 = arith.constant 0 : i32
    %c0_i32_0 = arith.constant 0 : i32
    return %arg0, %c0_i32 : i32, i32
  }
}

module attributes {stable_mosaic.version = 14 : i64} {
  func.func @_tc_update_body(%arg0: i32, %arg1: memref<1000x128xf32, #tpu.memory_space<vmem>>, %arg2: memref<1000x128xf32, #tpu.memory_space<vmem>>, %arg3: memref<1000x192xbf16, #tpu.memory_space<vmem>>, %arg4: memref<1000x192xbf16, #tpu.memory_space<vmem>>, %arg5: memref<1000x16xf32, #tpu.memory_space<vmem>>, %arg6: memref<1000x128xf32, #tpu.memory_space<vmem>>, %arg7: memref<1000x192xbf16, #tpu.memory_space<vmem>>, %arg8: memref<1000x192xbf16, #tpu.memory_space<vmem>>) attributes {dimension_semantics = [#tpu.dimension_semantics<arbitrary>], iteration_bounds = array<i64: 10>, scalar_prefetch = 0 : i64, scratch_operands = 0 : i64, tpu.core_type = #tpu.core_type<tc>, window_params = [{transform_indices = @transform_0, window_bounds = array<i64: 1000, 128>}, {transform_indices = @transform_1, window_bounds = array<i64: 1000, 128>}, {transform_indices = @transform_2, window_bounds = array<i64: 1000, 192>}, {transform_indices = @transform_3, window_bounds = array<i64: 1000, 192>}, {transform_indices = @transform_4, window_bounds = array<i64: 1000, 16>}, {transform_indices = @transform_5, window_bounds = array<i64: 1000, 128>}, {transform_indices = @transform_6, window_bounds = array<i64: 1000, 192>}, {transform_indices = @transform_7, window_bounds = array<i64: 1000, 192>}]} {
    %get3A = arith.constant 0 : index
    %get3A_0 = arith.constant 0 : index
    %get3A_1 = vector.load %arg1[%get3A, %get3A_0] : memref<1000x128xf32, #tpu.memory_space<vmem>>, vector<1000x128xf32>
    %get3A_2 = arith.constant 0 : index
    %get3A_3 = arith.constant 0 : index
    %get3A_4 = vector.load %arg5[%get3A_2, %get3A_3] : memref<1000x16xf32, #tpu.memory_space<vmem>>, vector<1000x1xf32>
    %gt3A = arith.constant 0.000000e+00 : f32
    %gt3A_5 = vector.broadcast %gt3A : f32 to vector<1000x1xf32>
    %gt3A_6 = arith.cmpf ogt, %get3A_4, %gt3A_5 : vector<1000x1xf32>
    %div3A = arith.constant -1.000000e+00 : f32
    %div3A_7 = vector.broadcast %div3A : f32 to vector<1000x1xf32>
    %div3A_8 = arith.divf %div3A_7, %get3A_4 : vector<1000x1xf32>
    %jit3A = arith.constant 0.000000e+00 : f32
    %broadcast_in_dim3A = vector.broadcast %jit3A : f32 to vector<1000x1xf32>
    %select_n3A = arith.select %gt3A_6, %div3A_8, %broadcast_in_dim3A : vector<1000x1xi1>, vector<1000x1xf32>
    %get3A_9 = arith.constant 0 : index
    %get3A_10 = arith.constant 0 : index
    %get3A_11 = vector.load %arg3[%get3A_9, %get3A_10] : memref<1000x192xbf16, #tpu.memory_space<vmem>>, vector<1000x192xbf16>
    %convert_element_type3A = arith.extf %get3A_11 : vector<1000x192xbf16> to vector<1000x192xf32>
    %get3A_12 = arith.constant 0 : index
    %get3A_13 = arith.constant 0 : index
    %get3A_14 = vector.load %arg4[%get3A_12, %get3A_13] : memref<1000x192xbf16, #tpu.memory_space<vmem>>, vector<1000x192xbf16>
    %convert_element_type3A_15 = arith.extf %get3A_14 : vector<1000x192xbf16> to vector<1000x192xf32>
    %slice3A = vector.extract_strided_slice %convert_element_type3A {offsets = [0, 0], sizes = [1000, 128], strides = [1, 1]} : vector<1000x192xf32> to vector<1000x128xf32>
    %mul3A = vector.broadcast %select_n3A : vector<1000x1xf32> to vector<1000x128xf32>
    %mul3A_16 = arith.mulf %mul3A, %slice3A : vector<1000x128xf32>
    %slice3A_17 = vector.extract_strided_slice %convert_element_type3A_15 {offsets = [0, 0], sizes = [1000, 128], strides = [1, 1]} : vector<1000x192xf32> to vector<1000x128xf32>
    %mul3A_18 = vector.broadcast %select_n3A : vector<1000x1xf32> to vector<1000x128xf32>
    %mul3A_19 = arith.mulf %mul3A_18, %slice3A_17 : vector<1000x128xf32>
    %slice3A_20 = vector.extract_strided_slice %convert_element_type3A {offsets = [0, 128], sizes = [1000, 64], strides = [1, 1]} : vector<1000x192xf32> to vector<1000x64xf32>
    %slice3A_21 = vector.extract_strided_slice %convert_element_type3A_15 {offsets = [0, 128], sizes = [1000, 64], strides = [1, 1]} : vector<1000x192xf32> to vector<1000x64xf32>
    %concatenate3A = tpu.concatenate %slice3A_20, %slice3A_21 in 1 : vector<1000x64xf32>, vector<1000x64xf32> -> vector<1000x128xf32>
    %mul3A_22 = vector.broadcast %select_n3A : vector<1000x1xf32> to vector<1000x128xf32>
    %mul3A_23 = arith.mulf %mul3A_22, %concatenate3A : vector<1000x128xf32>
    %mul3A_24 = arith.mulf %mul3A_16, %mul3A_16 : vector<1000x128xf32>
    %mul3A_25 = arith.mulf %mul3A_19, %mul3A_19 : vector<1000x128xf32>
    %add3A = arith.addf %mul3A_24, %mul3A_25 : vector<1000x128xf32>
    %sqrt3A = math.sqrt %add3A : vector<1000x128xf32>
    %get3A_26 = arith.constant 0 : index
    %get3A_27 = arith.constant 0 : index
    %get3A_28 = vector.load %arg2[%get3A_26, %get3A_27] : memref<1000x128xf32, #tpu.memory_space<vmem>>, vector<1000x128xf32>
    %add3A_29 = arith.addf %get3A_1, %mul3A_23 : vector<1000x128xf32>
    %neg3A = arith.constant 0.000000e+00 : f32
    %neg3A_30 = vector.broadcast %neg3A : f32 to vector<1000x128xf32>
    %neg3A_31 = arith.subf %neg3A_30, %add3A_29 : vector<1000x128xf32>
    %sin3A = math.sin %neg3A_31 : vector<1000x128xf32>
    %mul3A_32 = arith.mulf %sqrt3A, %sin3A : vector<1000x128xf32>
    %add3A_33 = arith.addf %get3A_28, %mul3A_32 : vector<1000x128xf32>
    %mul3A_34 = arith.constant 0.00999999977 : f32
    %mul3A_35 = vector.broadcast %mul3A_34 : f32 to vector<1000x128xf32>
    %mul3A_36 = arith.mulf %mul3A_35, %add3A_33 : vector<1000x128xf32>
    %add3A_37 = arith.addf %get3A_1, %mul3A_36 : vector<1000x128xf32>
    %swap3A = arith.constant 0 : index
    %swap3A_38 = arith.constant 0 : index
    %swap3A_39 = vector.load %arg6[%swap3A, %swap3A_38] : memref<1000x128xf32, #tpu.memory_space<vmem>>, vector<1000x128xf32>
    tpu.vector_store %arg6[%swap3A, %swap3A_38], %add3A_37 {strides = array<i32>} : memref<1000x128xf32, #tpu.memory_space<vmem>>, vector<1000x128xf32>,
    %cos3A = math.cos %add3A_37 : vector<1000x128xf32>
    %slice3A_40 = vector.extract_strided_slice %add3A_37 {offsets = [0, 0], sizes = [1000, 64], strides = [1, 1]} : vector<1000x128xf32> to vector<1000x64xf32>
    %concatenate3A_41 = tpu.concatenate %cos3A, %slice3A_40 in 1 : vector<1000x128xf32>, vector<1000x64xf32> -> vector<1000x192xf32>
    %convert_element_type3A_42 = arith.truncf %concatenate3A_41 : vector<1000x192xf32> to vector<1000x192xbf16>
    %swap3A_43 = arith.constant 0 : index
    %swap3A_44 = arith.constant 0 : index
    %swap3A_45 = vector.load %arg7[%swap3A_43, %swap3A_44] : memref<1000x192xbf16, #tpu.memory_space<vmem>>, vector<1000x192xbf16>
    tpu.vector_store %arg7[%swap3A_43, %swap3A_44], %convert_element_type3A_42 {strides = array<i32>} : memref<1000x192xbf16, #tpu.memory_space<vmem>>, vector<1000x192xbf16>,
    %sin3A_46 = math.sin %add3A_37 : vector<1000x128xf32>
    %slice3A_47 = vector.extract_strided_slice %add3A_37 {offsets = [0, 64], sizes = [1000, 64], strides = [1, 1]} : vector<1000x128xf32> to vector<1000x64xf32>
    %concatenate3A_48 = tpu.concatenate %sin3A_46, %slice3A_47 in 1 : vector<1000x128xf32>, vector<1000x64xf32> -> vector<1000x192xf32>
    %convert_element_type3A_49 = arith.truncf %concatenate3A_48 : vector<1000x192xf32> to vector<1000x192xbf16>
    %swap3A_50 = arith.constant 0 : index
    %swap3A_51 = arith.constant 0 : index
    %swap3A_52 = vector.load %arg8[%swap3A_50, %swap3A_51] : memref<1000x192xbf16, #tpu.memory_space<vmem>>, vector<1000x192xbf16>
    tpu.vector_store %arg8[%swap3A_50, %swap3A_51], %convert_element_type3A_49 {strides = array<i32>} : memref<1000x192xbf16, #tpu.memory_space<vmem>>, vector<1000x192xbf16>,
    return
  }
  func.func @transform_0(%arg0: i32) -> (i32, i32) {
    %c0_i32 = arith.constant 0 : i32
    %c0_i32_0 = arith.constant 0 : i32
    return %arg0, %c0_i32 : i32, i32
  }
  func.func @transform_1(%arg0: i32) -> (i32, i32) {
    %c0_i32 = arith.constant 0 : i32
    %c0_i32_0 = arith.constant 0 : i32
    return %arg0, %c0_i32 : i32, i32
  }
  func.func @transform_2(%arg0: i32) -> (i32, i32) {
    %c0_i32 = arith.constant 0 : i32
    %c0_i32_0 = arith.constant 0 : i32
    return %arg0, %c0_i32 : i32, i32
  }
  func.func @transform_3(%arg0: i32) -> (i32, i32) {
    %c0_i32 = arith.constant 0 : i32
    %c0_i32_0 = arith.constant 0 : i32
    return %arg0, %c0_i32 : i32, i32
  }
  func.func @transform_4(%arg0: i32) -> (i32, i32) {
    %c0_i32 = arith.constant 0 : i32
    %c0_i32_0 = arith.constant 0 : i32
    return %arg0, %c0_i32 : i32, i32
  }
  func.func @transform_5(%arg0: i32) -> (i32, i32) {
    %c0_i32 = arith.constant 0 : i32
    %c0_i32_0 = arith.constant 0 : i32
    return %arg0, %c0_i32 : i32, i32
  }
  func.func @transform_6(%arg0: i32) -> (i32, i32) {
    %c0_i32 = arith.constant 0 : i32
    %c0_i32_0 = arith.constant 0 : i32
    return %arg0, %c0_i32 : i32, i32
  }
  func.func @transform_7(%arg0: i32) -> (i32, i32) {
    %c0_i32 = arith.constant 0 : i32
    %c0_i32_0 = arith.constant 0 : i32
    return %arg0, %c0_i32 : i32, i32
  }
}

module attributes {stable_mosaic.version = 14 : i64} {
  func.func @_tc_head_body(%arg0: i32, %arg1: memref<1000x128xf32, #tpu.memory_space<vmem>>, %arg2: memref<128x16xf32, #tpu.memory_space<vmem>>, %arg3: memref<1x16xf32, #tpu.memory_space<vmem>>, %arg4: memref<1000x16xf32, #tpu.memory_space<vmem>>) attributes {dimension_semantics = [#tpu.dimension_semantics<arbitrary>], iteration_bounds = array<i64: 10>, scalar_prefetch = 0 : i64, scratch_operands = 0 : i64, tpu.core_type = #tpu.core_type<tc>, window_params = [{transform_indices = @transform_0, window_bounds = array<i64: 1000, 128>}, {pipeline_mode = #tpu.pipeline_mode<synchronous>, transform_indices = @transform_1, window_bounds = array<i64: 128, 16>}, {pipeline_mode = #tpu.pipeline_mode<synchronous>, transform_indices = @transform_2, window_bounds = array<i64: 1, 16>}, {transform_indices = @transform_3, window_bounds = array<i64: 1000, 16>}]} {
    %get3A = arith.constant 0 : index
    %get3A_0 = arith.constant 0 : index
    %get3A_1 = vector.load %arg1[%get3A, %get3A_0] : memref<1000x128xf32, #tpu.memory_space<vmem>>, vector<1000x128xf32>
    %max3A = arith.constant 0.000000e+00 : f32
    %max3A_2 = vector.broadcast %max3A : f32 to vector<1000x128xf32>
    %max3A_3 = arith.maximumf %get3A_1, %max3A_2 : vector<1000x128xf32>
    %get3A_4 = arith.constant 0 : index
    %get3A_5 = arith.constant 0 : index
    %get3A_6 = vector.load %arg2[%get3A_4, %get3A_5] : memref<128x16xf32, #tpu.memory_space<vmem>>, vector<128x16xf32>
    %dot_general3A = arith.constant dense<0.000000e+00> : vector<1000x16xf32>
    %dot_general3A_7 = tpu.matmul %max3A_3, %get3A_6, %dot_general3A {dimension_numbers = #tpu.dot_dimension_numbers<[1], [0], [0], [1], [0, 0, 1, 1], [], []>, transpose_lhs_hint = false} : vector<1000x128xf32>, vector<128x16xf32>, vector<1000x16xf32> -> vector<1000x16xf32>
    %get3A_8 = arith.constant 0 : index
    %get3A_9 = arith.constant 0 : index
    %get3A_10 = vector.load %arg3[%get3A_8, %get3A_9] : memref<1x16xf32, #tpu.memory_space<vmem>>, vector<1x16xf32>
    %add3A = vector.broadcast %get3A_10 : vector<1x16xf32> to vector<1000x16xf32>
    %add3A_11 = arith.addf %dot_general3A_7, %add3A : vector<1000x16xf32>
    %logistic3A = arith.negf %add3A_11 : vector<1000x16xf32>
    %logistic3A_12 = math.exp %logistic3A : vector<1000x16xf32>
    %logistic3A_13 = arith.constant 1.000000e+00 : f32
    %logistic3A_14 = vector.broadcast %logistic3A_13 : f32 to vector<1000x16xf32>
    %logistic3A_15 = arith.addf %logistic3A_14, %logistic3A_12 : vector<1000x16xf32>
    %logistic3A_16 = arith.divf %logistic3A_14, %logistic3A_15 : vector<1000x16xf32>
    %swap3A = arith.constant 0 : index
    %swap3A_17 = arith.constant 0 : index
    %swap3A_18 = vector.load %arg4[%swap3A, %swap3A_17] : memref<1000x16xf32, #tpu.memory_space<vmem>>, vector<1000x16xf32>
    tpu.vector_store %arg4[%swap3A, %swap3A_17], %logistic3A_16 {strides = array<i32>} : memref<1000x16xf32, #tpu.memory_space<vmem>>, vector<1000x16xf32>,
    return
  }
  func.func @transform_0(%arg0: i32) -> (i32, i32) {
    %c0_i32 = arith.constant 0 : i32
    %c0_i32_0 = arith.constant 0 : i32
    return %arg0, %c0_i32 : i32, i32
  }
  func.func @transform_1(%arg0: i32) -> (i32, i32) {
    %c0_i32 = arith.constant 0 : i32
    %c0_i32_0 = arith.constant 0 : i32
    %c0_i32_1 = arith.constant 0 : i32
    return %c0_i32, %c0_i32_0 : i32, i32
  }
  func.func @transform_2(%arg0: i32) -> (i32, i32) {
    %c0_i32 = arith.constant 0 : i32
    %c0_i32_0 = arith.constant 0 : i32
    %c0_i32_1 = arith.constant 0 : i32
    return %c0_i32, %c0_i32_0 : i32, i32
  }
  func.func @transform_3(%arg0: i32) -> (i32, i32) {
    %c0_i32 = arith.constant 0 : i32
    %c0_i32_0 = arith.constant 0 : i32
    return %arg0, %c0_i32 : i32, i32
  }
}

</mosaic_0001>

<sc_bundles>
// kernel: closed_call.17.cloned.1.call-start
scs
__scs_entry_jumppad:
0x0: {  	(pc) =	sbr.rel $0x88, $3  }
0x1: {  	(tag) =	ssettag $0x0;
	lr =	simm.s32 $0x1  }
0x2: {  	[smem:$0x3F9D] =	sst lr;
	_ =	strace $0xD0000000  }
0x3: {  	_ = 	snop  }
0x4: {  	_ = 	snop  }
0x5: {  	_ = 	snop  }
0x6: {  	_ = 	snop  }
0x7: {  	_ = 	snop  }
__scs_overlays_trampoline_lowered:
0x8: {  	[smem:$0x3FAC] =	sst s0  }
0x9: {  	[smem:$0x3FAD] =	sst s1  }
0xa: {  	[smem:$0x3FAE] =	sst s2  }
0xb: {  	[smem:$0x3FAF] =	sst s3  }
0xc: {  	[smem:$0x3FB0] =	sst s4  }
0xd: {  	[smem:$0x3FB1] =	sst s5  }
0xe: {  	[smem:$0x3FB2] =	sst s6  }
0xf: {  	[smem:$0x3FB3] =	sst s7  }
0x10: {  	[smem:$0x3FB4] =	sst s8  }
0x11: {  	[smem:$0x3FB5] =	sst s9;
	s0 =	simm.s32 @!p0 $0x0  }
0x12: {  	s1 =	sld [smem:$0x3F9B];
	s0 =	simm.s32 @p0 $0x1  }
0x13: {  	[smem:$0x3FB6] =	sst s0;
	s0 =	simm.s32 @!p1 $0x0  }
0x14: {  	s2 =	sld [smem:$0x3F9A];
	s0 =	simm.s32 @p1 $0x1  }
0x15: {  	[smem:$0x3FB7] =	sst s0;
	s0 =	simm.s32 @!p2 $0x0  }
0x16: {  	s3 =	sld [smem:$0x3FDB];
	s0 =	simm.s32 @p2 $0x1  }
0x17: {  	s4 =	simm.s32 $0x1BF5;
	[smem:$0x3FB9] =	sst s0  }
0x18: {  	s0 =	sld [smem:$0x3F9C];
	_ =	swait.ge [sflag:s4], $0x0  }
0x19: {  	s7 =	sld [smem:$0x3F9D]  }
0x1a: {  	s8 =	sadd.s32 $0xFFFFE003, lr  }
0x1b: {  	s9 =	sadd.s32 $0xFFFFFEF7, lr;
	s5 =	simm.s32 $0xFFFFFFFF;
	p2 =	slt.u32 s8, $0xFFFFF086  }
0x1c: {  	p1 =	slt.u32 s9, $0xF7A;
	s5 =	simm.s32 @!p2 $0x0  }
0x1d: {  	s5 =	simm.s32 @p1 $0x1;
	p0 =	seq.s32 s7, s2  }
0x1e: {  	s7 =	smul.u32 @!p0 $0xF7A, s2;
	p2 =	seq.s32 @!p0 s5, $0x0  }
0x1f: {  	s9 =	smul.u32 $0xF7A, s1;
	s8 =	simm.s32 @!p0 $0x1BF5;
	p2 =	por !p2, p0  }
0x20: {  	[sflag:s8] =	ssyncset.s32 @!p0 $0xFFFFF086;
	s6 =	sadd.s32 @!p0 s3, s7;
	s7 =	simm.s32 @!p0 $0x108  }
0x21: {  	s3 =	sadd.s32 s3, s9;
	s6 =	sadd.s32 @!p0 $0x88, s6;
	s7 =	simm.s32 @p2 $0x1082  }
0x22: {  	[simem:s7], [sflag:s8] =	dma.local @!p0 [hbm:s6], $0xF7A  }
0x23: {  	s9 =	sor.u32 $0xD0000000, s2;
	s6 =	simm.s32 $0x108;
	_ =	swait.ge @!p0 [sflag:s8], $0x0  }
0x24: {  	s3 =	sadd.s32 $0x88, s3;
	s6 =	simm.s32 @!p1 $0x1082;
	[sflag:s4] =	ssyncset.s32 $0xFFFFF086  }
0x25: {  	[simem:s6], [sflag:s4] =	dma.local [hbm:s3], $0xF7A  }
0x26: {  	[smem:$0x3F9D] =	sst s1;
	(tag) =	ssettag s2;
	_ =	strace s9  }
0x27: {  	s1 =	sld [smem:$0x3FAD]  }
0x28: {  	s2 =	sld [smem:$0x3FAE]  }
0x29: {  	s4 =	sld [smem:$0x3FB0]  }
0x2a: {  	p0 =	seq.s32 s5, $0x0;
	s5 =	sld [smem:$0x3FB1]  }
0x2b: {  	s6 =	sld [smem:$0x3FB2]  }
0x2c: {  	s7 =	sld [smem:$0x3FB3]  }
0x2d: {  	s3 =	simm.s32 $0x108;
	s8 =	sld [smem:$0x3FB4]  }
0x2e: {  	s3 =	simm.s32 @!p0 $0x1082;
	s9 =	sld [smem:$0x3FB5]  }
0x2f: {  	lr =	sadd.s32 s0, s3;
	s0 =	sld [smem:$0x3FAC]  }
0x30: {  	s3 =	sld [smem:$0x3FAF]  }
0x31: {  	[smem:$0x3FB8] =	sst s10  }
0x32: {  	s10 =	sld [smem:$0x3FB6];
	_ =	sdelay $0x3  }
0x33: {  	p0 =	seq.s32 s10, $0x1;
	s10 =	sld [smem:$0x3FB8];
	_ =	sdelay $0x3  }
0x34: {  	[smem:$0x3FB8] =	sst s10  }
0x35: {  	s10 =	sld [smem:$0x3FB7];
	_ =	sdelay $0x3  }
0x36: {  	p1 =	seq.s32 s10, $0x1;
	s10 =	sld [smem:$0x3FB8];
	_ =	sdelay $0x3  }
0x37: {  	[smem:$0x3FB8] =	sst s10  }
0x38: {  	s10 =	sld [smem:$0x3FB9]  }
0x39: {  	_ = 	snop;
	(pc) =	sbr.ind lr, $3  }
0x3a: {  	_ = 	snop  }
0x3b: {  	_ = 	snop  }
0x3c: {  	p2 =	seq.s32 s10, $0x1;
	s10 =	sld [smem:$0x3FB8]  }
0x3d: {  	_ =	shalt  }
0x3e: {  	_ =	shalt  }
0x3f: {  	_ =	shalt  }
0x40: {  	_ =	shalt  }
0x41: {  	_ =	shalt  }
0x42: {  	_ =	shalt  }
0x43: {  	_ =	shalt  }
0x44: {  	_ =	shalt  }
0x45: {  	_ =	shalt  }
0x46: {  	_ =	shalt  }
0x47: {  	_ =	shalt  }
0x48: {  	_ =	shalt  }
0x49: {  	_ =	shalt  }
0x4a: {  	_ =	shalt  }
0x4b: {  	_ =	shalt  }
0x4c: {  	_ =	shalt  }
0x4d: {  	_ =	shalt  }
0x4e: {  	_ =	shalt  }
0x4f: {  	_ =	shalt  }
0x50: {  	_ =	shalt  }
0x51: {  	_ =	shalt  }
0x52: {  	_ =	shalt  }
0x53: {  	_ =	shalt  }
0x54: {  	_ =	shalt  }
0x55: {  	_ =	shalt  }
0x56: {  	_ =	shalt  }
0x57: {  	_ =	shalt  }
0x58: {  	_ =	shalt  }
0x59: {  	_ =	shalt  }
0x5a: {  	_ =	shalt  }
0x5b: {  	_ =	shalt  }
0x5c: {  	_ =	shalt  }
0x5d: {  	_ =	shalt  }
0x5e: {  	_ =	shalt  }
0x5f: {  	_ =	shalt  }
0x60: {  	_ =	shalt  }
0x61: {  	_ =	shalt  }
0x62: {  	_ =	shalt  }
0x63: {  	_ =	shalt  }
0x64: {  	_ =	shalt  }
0x65: {  	_ =	shalt  }
0x66: {  	_ =	shalt  }
0x67: {  	_ =	shalt  }
0x68: {  	_ =	shalt  }
0x69: {  	_ =	shalt  }
0x6a: {  	_ =	shalt  }
0x6b: {  	_ =	shalt  }
0x6c: {  	_ =	shalt  }
0x6d: {  	_ =	shalt  }
0x6e: {  	_ =	shalt  }
0x6f: {  	_ =	shalt  }
0x70: {  	_ =	shalt  }
0x71: {  	_ =	shalt  }
0x72: {  	_ =	shalt  }
0x73: {  	_ =	shalt  }
0x74: {  	_ =	shalt  }
0x75: {  	_ =	shalt  }
0x76: {  	_ =	shalt  }
0x77: {  	_ =	shalt  }
0x78: {  	_ =	shalt  }
0x79: {  	_ =	shalt  }
0x7a: {  	_ =	shalt  }
0x7b: {  	_ =	shalt  }
0x7c: {  	_ =	shalt  }
0x7d: {  	_ =	shalt  }
0x7e: {  	_ =	shalt  }
0x7f: {  	_ =	shalt  }
0x80: {  	_ =	shalt  }
0x81: {  	_ =	shalt  }
0x82: {  	_ =	shalt  }
0x83: {  	_ =	shalt  }
0x84: {  	_ =	shalt  }
0x85: {  	_ =	shalt  }
0x86: {  	_ =	shalt  }
0x87: {  	_ =	shalt  }
.Lfunc_end0:
.L_simem_size_0:
called_computation_lowered:
.L_overlay_start_0:
0x88: {  	s2 =	sld [smem:$0x3FD9]  }
0x89: {  	s3 =	sld [smem:$0x3FFE];
	_ =	sdelay $0x1  }
0x8a: {  	s1 =	srdreg.scid  }
0x8b: {  	s0 =	sand.u32 $0x1, s1  }
0x8c: {  	s14 =	sshll.u32 s0, $0xA;
	s2 =	sadd.s32 s3, s2  }
0x8d: {  	s2 =	sadd.s32 s2, s14  }
0x8e: {  	[smem:$0x3FC4] =	sst s2  }
0x8f: {  	_ = 	snop  }
0x90: {  	s2 =	sld [smem:$0x3FD0];
	_ =	sdelay $0x2  }
0x91: {  	s15 =	simm.s32 $0xA;
	s4 =	simm.s32 $0x10  }
0x92: {  	[smem:s4], [sflag:s15] =	dma.local [hbm:s2], $0x1  }
0x93: {  	_ =	swait.eq [sflag:s15], $0x1  }
0x94: {  	[sflag:s15] =	ssyncset.done $0x0  }
0x95: {  	s16 =	sld [smem:$0x10];
	[sflag:s15] =	ssyncadd.s32 $0xFFFFFFFF  }
0x96: {  	s17 =	sld [smem:$0x11];
	(tm) =	ssettm $0x1  }
0x97: {  	s18 =	sld [smem:$0x3FFB];
	_ =	sdelay $0x3  }
0x98: {  	_ =	strace s18  }
0x99: {  	s4 =	sld [smem:$0x3FFC];
	_ =	sdelay $0x3  }
0x9a: {  	_ =	strace s4  }
0x9b: {  	s4 =	sld [smem:$0x3FFD];
	_ =	sdelay $0x3  }
0x9c: {  	_ =	strace s4  }
0x9d: {  	_ =	strace $0x8FFFFFFF  }
0x9e: {  	s19 =	sld [smem:$0x3FDB];
	_ =	sdelay $0x1  }
0x9f: {  	s5 =	simm.s32 $_scs_section_size  }
0xa0: {  	s6 =	simm.s32 $_size__tile_overlayer_lowered;
	s7 =	simm.s32 $_tile_overlayer_lowered  }
0xa1: {  	s22 =	simm.s32 $0x1BFF;
	s21 =	sshll.u32 s7, $0x1;
	s4 =	sadd.s32 s5, s19  }
0xa2: {  	s8 =	simm.s32 $0x0;
	s20 =	sshll.u32 s6, $0x1;
	s6 =	sadd.s32 s21, s4  }
0xa3: {  	[timem:s8], [sflag:s22] =	dma.local [hbm:s6], s20  }
0xa4: {  	_ =	swait.ge [sflag:s22], s20  }
0xa5: {  	s5 =	ssub.s32 $0x0, s20;
	[sflag:s22] =	ssyncset.done $0x0  }
0xa6: {  	[sflag:s22] =	ssyncadd.s32 s5;
	_ =	sdelay $0x1  }
0xa7: {  	s23 =	simm.s32 $0x1B8B  }
0xa8: {  	_ =	swait.ge [sflag:s23], $0x1  }
0xa9: {  	[sflag:s23] =	ssyncset.done $0x0  }
0xaa: {  	s25 =	simm.s32 $0x1B8E;
	s24 =	sld [smem:$0x3FFE];
	[sflag:s23] =	ssyncadd.s32 $0xFFFFFFFF  }
0xab: {  	s26 =	simm.s32 $execute0_lowered;
	[smem:$0x3FD2] =	sst s25  }
0xac: {  	s6 =	sshll.u32 s26, $0x1;
	_ =	strace $0x80000049;
	[dreg:$0x1] =	wrdreg $0xFFFFFFFF  }
0xad: {  	s28 =	simm.s32 $_size_execute0_lowered;
	s4 =	sadd.s32 s4, s6;
	[dreg:$0x0] =	wrdreg $0x0  }
0xae: {  	s6 =	sshll.u32 s28, $0x1;
	[dreg:$0x2] =	wrdreg s4  }
0xaf: {  	[dreg:$0x3] =	wrdreg s6  }
0xb0: {  	[dreg:$0x4] =	wrdreg $0xC0  }
0xb1: {  	_ =	task [dreg:s8], $0x5FFFF  }
0xb2: {  	[dreg:$0x1] =	wrdreg $0xFFFFFFFF  }
0xb3: {  	[dreg:$0x0] =	wrdreg $0x60  }
0xb4: {  	[dreg:$0x2] =	wrdreg s24  }
0xb5: {  	[dreg:$0x3] =	wrdreg s17  }
0xb6: {  	[dreg:$0x4] =	wrdreg s16  }
0xb7: {  	[dreg:$0x5] =	wrdreg $0x10FE00  }
0xb8: {  	[dreg:$0x6] =	wrdreg $0x25800  }
0xb9: {  	[dreg:$0x7] =	wrdreg $0x9  }
0xba: {  	_ =	task.clear_ibuf [dreg:s8], $0x8FFFF;
	_ =	strace $0x90000049  }
0xbb: {  	s29 =	simm.s32 $0x9;
	_ =	strace $0x8000004B  }
0xbc: {  	_ =	swait.ge [sflag:s29], $0x1  }
0xbd: {  	[sflag:s29] =	ssyncadd.s32 $0xFFFFFFFF  }
0xbe: {  	_ =	strace $0x9000004B  }
0xbf: {  	_ =	sfence  }
0xc0: {  	s30 =	sld [smem:$0x0];
	_ =	sdelay $0x2  }
0xc1: {  	s31 =	sshll.u32 s1, $0xD;
	s1 =	sshrl.u32 s1, $0x2  }
0xc2: {  	s3 =	sand.u32 $0x4000, s31;
	s1 =	sadd.s32 s1, s30  }
0xc3: {  	s0 =	sor.u32 s3, s0;
	s1 =	sshll.u32 s1, $0x11  }
0xc4: {  	s0 =	sor.u32 s1, s0  }
0xc5: {  	s0 =	sadd.s32 $0x8F2B, s0  }
0xc6: {  	[sflag:s0] =	ssyncadd.remote.s32 $0x1  }
0xc7: {  	_ =	sfence.sel $0xFFFF  }
0xc8: {  	[dreg:$0x0] =	wrdreg $0xFFFFFFFF;
	(pc) =	sbr.abs _section_cstart, $3  }
0xc9: {  	[dreg:$0x1] =	wrdreg $0xFFFFFFFF  }
0xca: {  	_ =	task.clear_ibuf [dreg:s8], $0x2FFFF;
	_ =	strace $0x9FFFFFFF  }
0xcb: {  	(tm) =	ssettm $0x7FFFFFFF  }
tec
execute0_lowered:
.L_overlay_start_1:
0x0: {  	(tag) =	ssettag $0x1  }
0x1: {  	s0 =	rddreg [dreg:$0x0]  }
0x2: {  	s1 =	rddreg [dreg:$0x1]  }
0x3: {  	s2 =	rddreg [dreg:$0x3]  }
0x4: {  	s3 =	rddreg [dreg:$0x4];
	s4 =	simm.s32 $0x0;
	s7 =	srdreg.scid  }
0x5: {  	s14 =	stileid.u32;
	s28 =	simm.s32 $0xC0;
	s31 =	simm.s32 $0x18  }
0x6: {  	s30 =	simm.s32 $0xF;
	[smem:$0x7FF] =	sst s4;
	s9 =	smul.u32 $0x3AB00, s14  }
0x7: {  	s5 =	sadd.s32 $0xA1600, s0;
	s6 =	sadd.s32 $0xB5200, s0;
	s11 =	smul.u32 $0x1D4C0, s14  }
0x8: {  	s8 =	sadd.s32 $0xD2800, s0;
	s7 =	sand.u32 $0x1, s7;
	s13 =	smul.u32 $0x9D80, s14  }
0x9: {  	s0 =	sadd.s32 $0xEFE00, s0;
	s15 =	sshll.u32 s14, $0x6;
	s23 =	smul.u32 $0x13B0, s14  }
0xa: {  	s14 =	simm.s32 $0x8;
	_ =	strace $0x8000004A;
	s10 =	ssub.s32 $0x2, s7  }
0xb: {  	s17 =	sor.u32 $0x1C0D, s15;
	p0 =	seq.s32 s7, $0x0;
	[dreg:$0x6] =	wrdreg s15  }
0xc: {  	s25 =	sor.u32 $0x1C0E, s15;
	s7 =	simm.s32 $0x3;
	s15 =	simm.s32 $0x5  }
0xd: {  	s12 =	sshrl.u32 s10, $0x1;
	s9 =	sshrl.u32 s9, $0x2;
	[dreg:$0x7] =	wrdreg s17  }
0xe: {  	s18 =	sshrl.u32 s11, $0x1;
	s13 =	sshrl.u32 s13, $0x3;
	s11 =	sshrl.u32 s11, $0x4  }
0xf: {  	s6 =	smov.u32 @p0 s1;
	s0 =	smov.u32 @p0 s8;
	s17 =	sadd.s32 s23, s5  }
0x10: {  	[dreg:$0x12] =	wrdreg s25;
	s1 =	simm.s32 $0xA80;
	s25 =	simm.s32 $0xC  }
0x11: {  	s23 =	simm.s32 $0x7;
	s10 =	ssub.s32 s10, s12;
	s13 =	sadd.s32 s5, s13  }
0x12: {  	s9 =	sadd.s32 s9, s2;
	s6 =	sadd.s32 s6, s11;
	[dreg:$0x8] =	wrdreg s13  }
0x13: {  	s19 =	sadd.s32 s18, s3;
	s0 =	sadd.s32 s0, s11;
	[dreg:$0xf] =	wrdreg s6  }
0x14: {  	s12 =	sadd.s32 s18, s2;
	s16 =	sadd.s32 $0x6, s13;
	[dreg:$0x10] =	wrdreg s0  }
0x15: {  	s11 =	simm.s32 $0x4;
	s20 =	sadd.s32 $0xC, s13;
	[dreg:$0x9] =	wrdreg s16  }
0x16: {  	s18 =	simm.s32 $0xB;
	s21 =	sadd.s32 $0x12, s13;
	[dreg:$0xa] =	wrdreg s20  }
0x17: {  	s22 =	sadd.s32 $0x18, s13;
	s13 =	sadd.s32 $0x1E, s13;
	[dreg:$0xb] =	wrdreg s21  }
0x18: {  	s10 =	smax.u32 s10, $0x1;
	s24 =	sshrl.u32 s9, $0x3;
	[dreg:$0xc] =	wrdreg s22  }
0x19: {  	s26 =	sshrl.u32 s19, $0x3;
	s29 =	sshrl.u32 s12, $0x3;
	[dreg:$0xd] =	wrdreg s13  }
.Ltmp0:
0x1a: {  	s0 =	simm.s32 $0x180;
	[dreg:$0xe] =	wrdreg s10;
	(pc) =	sbr.rel .LBB2_1-.Ltmp0, $4  }
0x1b: {  	s9 =	simm.s32 $0x1380;
	s12 =	simm.s32 $0x1C80;
	[dreg:$0x11] =	wrdreg s24  }
0x1c: {  	s6 =	simm.s32 $0xA;
	[dreg:$0x13] =	wrdreg s26;
	s22 =	simm.s32 $0xE  }
0x1d: {  	[dreg:$0x14] =	wrdreg s29;
	s21 =	simm.s32 $0xF0;
	s10 =	simm.s32 $0x9  }
0x1e: {  	s20 =	simm.s32 $0x6;
	s26 =	simm.s32 $0x10;
	s13 =	simm.s32 $0x0  }
.LBB2_4:
0x1f: {  	_ =	swait.ge [sflag:s25], $0x900  }
0x20: {  	[sflag:s25] =	ssyncset.done $0x0  }
0x21: {  	s5 =	simm.s32 $0x168;
	[sflag:s25] =	ssyncadd.s32 $0xFFFFF700  }
0x22: {  	[spmem:s2] =	stream.indirect.scatter.add.bf16 [tilespmem:s12], [sflag:$0x10], $0x60, s5, s31, $0xb8;
	[tilespmem:$0x1FAA0] =	vst v63  }
0x23: {  	_ =	swait.ge [sflag:s30], $0x900  }
0x24: {  	[sflag:s30] =	ssyncset.done $0x0  }
0x25: {  	[sflag:s30] =	ssyncadd.s32 $0xFFFFF700  }
0x26: {  	_ =	swait.ge [sflag:s26], $0x900  }
0x27: {  	[sflag:s26] =	ssyncset.done $0x0  }
0x28: {  	[sflag:s26] =	ssyncadd.s32 $0xFFFFF700  }
0x29: {  	[bflag:$0x0] =	sbarrier.arrive $0xFFFF  }
0x2a: {  	s8 =	rddreg [dreg:$0x6]  }
0x2b: {  	s13 =	rddreg [dreg:$0x10]  }
0x2c: {  	s21 =	simm.s32 $0x11;
	s16 =	rddreg [dreg:$0x14];
	s8 =	sor.u32 $0x1C11, s8  }
0x2d: {  	[hbm:s13], [sflag:s8] =	dma.local [spmem:s16], $0x1D4C  }
0x2e: {  	_ =	swait.ge [sflag:s21], $0x1D4C  }
0x2f: {  	s24 =	rddreg [dreg:$0x15]  }
0x30: {  	s29 =	rddreg [dreg:$0xe];
	s13 =	sadd.s32 $0x1, s24  }
0x31: {  	p0 =	sne.s32 s13, s29  }
.Ltmp1:
0x32: {  	_ = 	snop;
	(pc) =	sbr.rel @!p0 .LBB2_5-.Ltmp1, $3  }
0x33: {  	_ =	sdelay $0x1  }
0x34: {  	[sflag:s21] =	ssyncset.done $0x0  }
0x35: {  	s28 =	simm.s32 $0xC0;
	[sflag:s21] =	ssyncadd.s32 $0xFFFFE2B4;
	s21 =	simm.s32 $0xF0  }
.LBB2_1:
0x36: {  	[dreg:$0x15] =	wrdreg s13  }
0x37: {  	s8 =	rddreg [dreg:$0x2]  }
0x38: {  	s5 =	rddreg [dreg:$0x7]  }
0x39: {  	s16 =	rddreg [dreg:$0x11]  }
0x3a: {  	[spmem:s16], [sflag:s5] =	dma.local [hbm:s8], $0x1D58  }
0x3b: {  	s8 =	rddreg [dreg:$0xf]  }
0x3c: {  	s13 =	rddreg [dreg:$0x12]  }
0x3d: {  	s16 =	rddreg [dreg:$0x13]  }
0x3e: {  	[spmem:s16], [sflag:s13] =	dma.local [hbm:s8], $0x1D4C  }
0x3f: {  	s16 =	simm.s32 $0xD  }
0x40: {  	_ =	swait.ge [sflag:s16], $0x1D58  }
0x41: {  	[sflag:s16] =	ssyncset.done $0x0  }
0x42: {  	[sflag:s16] =	ssyncadd.s32 $0xFFFFE2A8  }
0x43: {  	_ =	swait.ge [sflag:s22], $0x1D4C  }
0x44: {  	[sflag:s22] =	ssyncset.done $0x0  }
0x45: {  	[sflag:s22] =	ssyncadd.s32 $0xFFFFE2B4  }
0x46: {  	[bflag:$0x0] =	sbarrier.arrive $0xFFFF  }
0x47: {  	s19 =	rddreg [dreg:$0x8]  }
0x48: {  	[tilespmem:s4], [sflag:$0x1] =	stream.linear.gather [hbm4b:s19+s4], $0x30, $0x38;
	[tilespmem:$0x1FAA0] =	vst v63  }
0x49: {  	s13 =	simm.s32 $0x30;
	s24 =	rddreg [dreg:$0x9]  }
0x4a: {  	[tilespmem:s13], [sflag:$0x2] =	stream.linear.gather [hbm4b:s24+s4], $0x30, $0x38;
	[tilespmem:$0x1FAA0] =	vst v63  }
0x4b: {  	s16 =	simm.s32 $0x60;
	s29 =	rddreg [dreg:$0xa]  }
0x4c: {  	[tilespmem:s16], [sflag:$0x3] =	stream.linear.gather [hbm4b:s29+s4], $0x30, $0x38;
	[tilespmem:$0x1FAA0] =	vst v63  }
0x4d: {  	s5 =	rddreg [dreg:$0xb];
	s19 =	simm.s32 $0x90  }
0x4e: {  	[tilespmem:s19], [sflag:$0x4] =	stream.linear.gather [hbm4b:s5+s4], $0x30, $0x38;
	[tilespmem:$0x1FAA0] =	vst v63  }
0x4f: {  	s19 =	rddreg [dreg:$0xc]  }
0x50: {  	[tilespmem:s28], [sflag:$0x5] =	stream.linear.gather [hbm4b:s19+s4], $0x30, $0x38;
	[tilespmem:$0x1FAA0] =	vst v63  }
0x51: {  	s24 =	rddreg [dreg:$0xd];
	s5 =	simm.s32 $0x1  }
0x52: {  	[tilespmem:s21], [sflag:$0x6] =	stream.linear.gather [hbm4b:s24+s4], $0x30, $0x38;
	[tilespmem:$0x1FAA0] =	vst v63  }
0x53: {  	_ =	swait.ge [sflag:s5], $0x30  }
0x54: {  	[sflag:s5] =	ssyncset.done $0x0  }
0x55: {  	s29 =	simm.s32 $0x2;
	[sflag:s5] =	ssyncadd.s32 $0xFFFFFFD0  }
0x56: {  	[tilespmem:s0], [sflag:$0x9] =	stream.indirect.gather [spmem:s3], $0x60, s4, s31, $0xb8;
	[tilespmem:$0x1FAA0] =	vst v63  }
0x57: {  	_ =	swait.ge [sflag:s29], $0x30  }
0x58: {  	[sflag:s29] =	ssyncset.done $0x0  }
0x59: {  	[sflag:s29] =	ssyncadd.s32 $0xFFFFFFD0  }
0x5a: {  	[tilespmem:s1], [sflag:$0xA] =	stream.indirect.gather [spmem:s3], $0x60, s13, s31, $0xb8;
	[tilespmem:$0x1FAA0] =	vst v63  }
0x5b: {  	_ =	swait.ge [sflag:s7], $0x30  }
0x5c: {  	[sflag:s7] =	ssyncset.done $0x0  }
0x5d: {  	s24 =	simm.s32 $0x0;
	[sflag:s7] =	ssyncadd.s32 $0xFFFFFFD0  }
0x5e: {  	[tilespmem:s9], [sflag:$0xB] =	stream.indirect.gather [spmem:s3], $0x60, s16, s31, $0xb8;
	[tilespmem:$0x1FAA0] =	vst v63  }
.LBB2_2:
0x5f: {  	_ =	swait.ge [sflag:s10], $0x900  }
0x60: {  	p0 =	seq.s32 s24, $0x0;
	[sflag:s10] =	ssyncset.done $0x0  }
0x61: {  	s19 =	simm.s32 @!p0 $0x10;
	[sflag:s10] =	ssyncadd.s32 $0xFFFFF700  }
0x62: {  	[spmem:s2] =	stream.indirect.scatter.add.bf16 [tilespmem:s0], [sflag:$0xD], $0x60, s31, s31, $0xb8;
	[tilespmem:$0x1FAA0] =	vst v63  }
0x63: {  	_ =	swait.ge @!p0 [sflag:s19], $0x900  }
0x64: {  	[sflag:s19] =	ssyncset.done @!p0 $0x0  }
0x65: {  	[sflag:s19] =	ssyncadd.s32 @!p0 $0xFFFFF700  }
0x66: {  	_ =	swait.ge [sflag:s11], $0x30  }
0x67: {  	[sflag:s11] =	ssyncset.done $0x0  }
0x68: {  	s8 =	simm.s32 $0x90;
	s19 =	sadd.s32 s24, s17;
	[sflag:s11] =	ssyncadd.s32 $0xFFFFFFD0  }
0x69: {  	[tilespmem:s12], [sflag:$0xC] =	stream.indirect.gather [spmem:s3], $0x60, s8, s31, $0xb8;
	[tilespmem:$0x1FAA0] =	vst v63  }
0x6a: {  	s13 =	simm.s32 $0x120;
	s16 =	sadd.s32 $0x24, s19  }
0x6b: {  	[tilespmem:s13], [sflag:$0x7] =	stream.linear.gather [hbm4b:s16+s4], $0x30, $0x38;
	[tilespmem:$0x1FAA0] =	vst v63  }
0x6c: {  	_ =	swait.ge [sflag:s6], $0x900  }
0x6d: {  	[sflag:s6] =	ssyncset.done $0x0  }
0x6e: {  	s5 =	simm.s32 $0x48;
	s29 =	simm.s32 $0xD;
	[sflag:s6] =	ssyncadd.s32 $0xFFFFF700  }
0x6f: {  	[spmem:s2] =	stream.indirect.scatter.add.bf16 [tilespmem:s1], [sflag:$0xE], $0x60, s5, s31, $0xb8;
	[tilespmem:$0x1FAA0] =	vst v63  }
0x70: {  	_ =	swait.ge [sflag:s29], $0x900  }
0x71: {  	[sflag:s29] =	ssyncset.done $0x0  }
0x72: {  	[sflag:s29] =	ssyncadd.s32 $0xFFFFF700  }
0x73: {  	_ =	swait.ge [sflag:s15], $0x30  }
0x74: {  	[sflag:s15] =	ssyncset.done $0x0  }
0x75: {  	[sflag:s15] =	ssyncadd.s32 $0xFFFFFFD0  }
0x76: {  	[tilespmem:s0], [sflag:$0x9] =	stream.indirect.gather [spmem:s3], $0x60, s28, s31, $0xb8;
	[tilespmem:$0x1FAA0] =	vst v63  }
0x77: {  	s16 =	simm.s32 $0x150;
	s5 =	sadd.s32 $0x2A, s19  }
0x78: {  	[tilespmem:s16], [sflag:$0x8] =	stream.linear.gather [hbm4b:s5+s4], $0x30, $0x38;
	[tilespmem:$0x1FAA0] =	vst v63  }
0x79: {  	_ =	swait.ge [sflag:s18], $0x900  }
0x7a: {  	[sflag:s18] =	ssyncset.done $0x0  }
0x7b: {  	s8 =	simm.s32 $0x78;
	[sflag:s18] =	ssyncadd.s32 $0xFFFFF700  }
0x7c: {  	[spmem:s2] =	stream.indirect.scatter.add.bf16 [tilespmem:s9], [sflag:$0xF], $0x60, s8, s31, $0xb8;
	[tilespmem:$0x1FAA0] =	vst v63  }
0x7d: {  	_ =	swait.ge [sflag:s22], $0x900  }
0x7e: {  	[sflag:s22] =	ssyncset.done $0x0  }
0x7f: {  	[sflag:s22] =	ssyncadd.s32 $0xFFFFF700  }
0x80: {  	_ =	swait.ge [sflag:s20], $0x30  }
0x81: {  	p0 =	seq.s32 s24, $0x1380;
	[sflag:s20] =	ssyncset.done $0x0  }
0x82: {  	s8 =	sadd.s32 @!p0 s24, s17;
	[sflag:s20] =	ssyncadd.s32 $0xFFFFFFD0  }
0x83: {  	[tilespmem:s1], [sflag:$0xA] =	stream.indirect.gather [spmem:s3], $0x60, s21, s31, $0xb8;
	[tilespmem:$0x1FAA0] =	vst v63  }
0x84: {  	s29 =	simm.s32 @!p0 $0x0;
	s28 =	sadd.s32 @!p0 $0x30, s8  }
0x85: {  	[tilespmem:s29], [sflag:$0x1] =	stream.linear.gather @!p0 [hbm4b:s28+s29], $0x30, $0x38;
	[tilespmem:$0x1FAA0] =	vst v63  }
0x86: {  	_ =	swait.ge [sflag:s25], $0x900  }
0x87: {  	[sflag:s25] =	ssyncset.done $0x0  }
0x88: {  	s28 =	simm.s32 $0xA8;
	[sflag:s25] =	ssyncadd.s32 $0xFFFFF700  }
0x89: {  	[spmem:s2] =	stream.indirect.scatter.add.bf16 [tilespmem:s12], [sflag:$0x10], $0x60, s28, s31, $0xb8;
	[tilespmem:$0x1FAA0] =	vst v63  }
0x8a: {  	_ =	swait.ge [sflag:s30], $0x900  }
0x8b: {  	[sflag:s30] =	ssyncset.done $0x0  }
0x8c: {  	[sflag:s30] =	ssyncadd.s32 $0xFFFFF700  }
0x8d: {  	_ =	swait.ge [sflag:s23], $0x30  }
0x8e: {  	[sflag:s23] =	ssyncset.done $0x0  }
0x8f: {  	[sflag:s23] =	ssyncadd.s32 $0xFFFFFFD0  }
0x90: {  	[tilespmem:s9], [sflag:$0xB] =	stream.indirect.gather [spmem:s3], $0x60, s13, s31, $0xb8;
	[tilespmem:$0x1FAA0] =	vst v63  }
0x91: {  	s28 =	sadd.s32 @!p0 $0x36, s8;
	s13 =	simm.s32 @!p0 $0x30  }
0x92: {  	[tilespmem:s13], [sflag:$0x2] =	stream.linear.gather @!p0 [hbm4b:s28+s29], $0x30, $0x38;
	[tilespmem:$0x1FAA0] =	vst v63  }
0x93: {  	_ =	swait.ge [sflag:s10], $0x900  }
0x94: {  	[sflag:s10] =	ssyncset.done $0x0  }
0x95: {  	s28 =	simm.s32 $0xD8;
	[sflag:s10] =	ssyncadd.s32 $0xFFFFF700  }
0x96: {  	[spmem:s2] =	stream.indirect.scatter.add.bf16 [tilespmem:s0], [sflag:$0xD], $0x60, s28, s31, $0xb8;
	[tilespmem:$0x1FAA0] =	vst v63  }
0x97: {  	_ =	swait.ge [sflag:s26], $0x900  }
0x98: {  	[sflag:s26] =	ssyncset.done $0x0  }
0x99: {  	[sflag:s26] =	ssyncadd.s32 $0xFFFFF700  }
0x9a: {  	_ =	swait.ge [sflag:s14], $0x30  }
0x9b: {  	[sflag:s14] =	ssyncset.done $0x0  }
0x9c: {  	s13 =	simm.s32 @p0 $0xA;
	[sflag:s14] =	ssyncadd.s32 $0xFFFFFFD0  }
0x9d: {  	[tilespmem:s12], [sflag:$0xC] =	stream.indirect.gather [spmem:s3], $0x60, s16, s31, $0xb8;
	[tilespmem:$0x1FAA0] =	vst v63  }
0x9e: {  	_ =	swait.ge @p0 [sflag:s13], $0x900  }
0x9f: {  	s28 =	simm.s32 @p0 $0x108;
	[sflag:s13] =	ssyncset.done @p0 $0x0  }
0xa0: {  	s16 =	simm.s32 @p0 $0xA80;
	[sflag:s13] =	ssyncadd.s32 @p0 $0xFFFFF700;
	s13 =	simm.s32 @p0 $0x18  }
0xa1: {  	[spmem:s2] =	stream.indirect.scatter.add.bf16 @p0 [tilespmem:s16], [sflag:$0xE], $0x60, s28, s13, $0xb8;
	[tilespmem:$0x1FAA0] =	vst v63  }
0xa2: {  	s13 =	simm.s32 @p0 $0xD  }
0xa3: {  	_ =	swait.ge @p0 [sflag:s13], $0x900  }
0xa4: {  	[sflag:s13] =	ssyncset.done @p0 $0x0  }
0xa5: {  	s16 =	simm.s32 @!p0 $0x60;
	[sflag:s13] =	ssyncadd.s32 @p0 $0xFFFFF700;
	s13 =	sadd.s32 @!p0 $0x3C, s8  }
0xa6: {  	[tilespmem:s16], [sflag:$0x3] =	stream.linear.gather @!p0 [hbm4b:s13+s29], $0x30, $0x38;
	[tilespmem:$0x1FAA0] =	vst v63  }
0xa7: {  	s13 =	simm.s32 @!p0 $0xA  }
0xa8: {  	_ =	swait.ge @!p0 [sflag:s13], $0x900  }
0xa9: {  	s28 =	simm.s32 @!p0 $0xA80;
	[sflag:s13] =	ssyncset.done @!p0 $0x0  }
0xaa: {  	s16 =	simm.s32 @!p0 $0x108;
	[sflag:s13] =	ssyncadd.s32 @!p0 $0xFFFFF700;
	s13 =	simm.s32 @!p0 $0x18  }
0xab: {  	[spmem:s2] =	stream.indirect.scatter.add.bf16 @!p0 [tilespmem:s28], [sflag:$0xE], $0x60, s16, s13, $0xb8;
	[tilespmem:$0x1FAA0] =	vst v63  }
0xac: {  	s16 =	simm.s32 @!p0 $0xD  }
0xad: {  	_ =	swait.ge @!p0 [sflag:s16], $0x900  }
0xae: {  	[sflag:s16] =	ssyncset.done @!p0 $0x0  }
0xaf: {  	[sflag:s16] =	ssyncadd.s32 @!p0 $0xFFFFF700;
	s16 =	simm.s32 @!p0 $0x1  }
0xb0: {  	_ =	swait.ge @!p0 [sflag:s16], $0x30  }
0xb1: {  	[sflag:s16] =	ssyncset.done @!p0 $0x0  }
0xb2: {  	[sflag:s16] =	ssyncadd.s32 @!p0 $0xFFFFFFD0;
	s16 =	simm.s32 @!p0 $0x180  }
0xb3: {  	[tilespmem:s16], [sflag:$0x9] =	stream.indirect.gather @!p0 [spmem:s3], $0x60, s29, s13, $0xb8;
	[tilespmem:$0x1FAA0] =	vst v63  }
0xb4: {  	s8 =	sadd.s32 @!p0 $0x42, s8;
	s13 =	simm.s32 @!p0 $0x90  }
0xb5: {  	[tilespmem:s13], [sflag:$0x4] =	stream.linear.gather @!p0 [hbm4b:s8+s29], $0x30, $0x38;
	[tilespmem:$0x1FAA0] =	vst v63  }
0xb6: {  	_ =	swait.ge [sflag:s18], $0x900  }
0xb7: {  	[sflag:s18] =	ssyncset.done $0x0  }
.Ltmp2:
0xb8: {  	s29 =	simm.s32 $0x138;
	[sflag:s18] =	ssyncadd.s32 $0xFFFFF700;
	(pc) =	sbr.rel @p0 .LBB2_4-.Ltmp2, $4  }
0xb9: {  	[spmem:s2] =	stream.indirect.scatter.add.bf16 [tilespmem:s9], [sflag:$0xF], $0x60, s29, s31, $0xb8;
	[tilespmem:$0x1FAA0] =	vst v63  }
0xba: {  	_ =	swait.ge [sflag:s22], $0x900  }
0xbb: {  	[sflag:s22] =	ssyncset.done $0x0  }
0xbc: {  	s5 =	simm.s32 $0xF0;
	s21 =	simm.s32 $0xC0;
	[sflag:s22] =	ssyncadd.s32 $0xFFFFF700  }
0xbd: {  	s8 =	simm.s32 $0x2  }
0xbe: {  	_ =	swait.ge [sflag:s8], $0x30  }
0xbf: {  	[sflag:s8] =	ssyncset.done $0x0  }
0xc0: {  	s29 =	simm.s32 $0x30;
	[sflag:s8] =	ssyncadd.s32 $0xFFFFFFD0  }
0xc1: {  	[tilespmem:s1], [sflag:$0xA] =	stream.indirect.gather [spmem:s3], $0x60, s29, s31, $0xb8;
	[tilespmem:$0x1FAA0] =	vst v63  }
0xc2: {  	s13 =	sadd.s32 $0x48, s19  }
0xc3: {  	[tilespmem:s21], [sflag:$0x5] =	stream.linear.gather [hbm4b:s13+s4], $0x30, $0x38;
	[tilespmem:$0x1FAA0] =	vst v63  }
0xc4: {  	_ =	swait.ge [sflag:s25], $0x900  }
0xc5: {  	[sflag:s25] =	ssyncset.done $0x0  }
0xc6: {  	s16 =	simm.s32 $0x168;
	[sflag:s25] =	ssyncadd.s32 $0xFFFFF700  }
0xc7: {  	[spmem:s2] =	stream.indirect.scatter.add.bf16 [tilespmem:s12], [sflag:$0x10], $0x60, s16, s31, $0xb8;
	[tilespmem:$0x1FAA0] =	vst v63  }
0xc8: {  	_ =	swait.ge [sflag:s30], $0x900  }
0xc9: {  	[sflag:s30] =	ssyncset.done $0x0  }
0xca: {  	[sflag:s30] =	ssyncadd.s32 $0xFFFFF700  }
0xcb: {  	_ =	swait.ge [sflag:s7], $0x30  }
.Ltmp3:
0xcc: {  	[sflag:s7] =	ssyncset.done $0x0;
	(pc) =	sbr.rel .LBB2_2-.Ltmp3, $4  }
0xcd: {  	s24 =	sadd.s32 $0x30, s24;
	s21 =	simm.s32 $0x60;
	[sflag:s7] =	ssyncadd.s32 $0xFFFFFFD0  }
0xce: {  	[tilespmem:s9], [sflag:$0xB] =	stream.indirect.gather [spmem:s3], $0x60, s21, s31, $0xb8;
	[tilespmem:$0x1FAA0] =	vst v63  }
0xcf: {  	s28 =	simm.s32 $0xC0;
	s29 =	sadd.s32 $0x4E, s19;
	s21 =	simm.s32 $0xF0  }
0xd0: {  	[tilespmem:s5], [sflag:$0x6] =	stream.linear.gather [hbm4b:s29+s4], $0x30, $0x38;
	[tilespmem:$0x1FAA0] =	vst v63  }
.LBB2_5:
0xd1: {  	_ =	sfence.sel $0x180000  }
0xd2: {  	[bflag:$0x0] =	sbarrier.arrive $0xFFFF  }
0xd3: {  	_ =	strace $0x9000004A  }
0xd4: {  	s0 =	stileid.u32;
	[bflag:$0x2] =	sbarrier.arrive $0xFFFF  }
0xd5: {  	p0 =	sne.s32 s0, $0x0;
	s0 =	rddreg [dreg:$0x5]  }
0xd6: {  	s0 =	sadd.s32 @!p0 $0x100000, s0  }
0xd7: {  	[sflag:s0] =	ssyncadd.tile.s32 @!p0 $0x1;
	_ =	shalt  }
.Lfunc_end2:
_tile_overlayer_lowered:
.L_overlay_start_2:
0xd8: {  	(tag) =	ssettag $0x2  }
0xd9: {  	s0 =	rddreg [dreg:$0x0];
	s2 =	stileid.u32  }
0xda: {  	s1 =	rddreg [dreg:$0x1];
	p0 =	sne.s32 s2, $0x0  }
0xdb: {  	s3 =	rddreg [dreg:$0x2];
	[bflag:$0x3] =	sbarrier.arrive $0xFFFF;
	s2 =	simm.s32 @!p0 $0x1C11  }
0xdc: {  	[timem:s3], [sflag:s2] =	dma.local @!p0 [hbm:s0], s1  }
0xdd: {  	s0 =	simm.s32 @!p0 $0x11  }
0xde: {  	_ =	swait.ge @!p0 [sflag:s0], s1  }
0xdf: {  	s1 =	ssub.s32 @!p0 $0x0, s1;
	[sflag:s0] =	ssyncset.done @!p0 $0x0  }
0xe0: {  	[sflag:s0] =	ssyncadd.s32 @!p0 s1  }
0xe1: {  	[bflag:$0x3] =	sbarrier.arrive $0xFFFF  }
0xe2: {  	_ =	shalt  }

// kernel: kernel.5.cloned.1.call-start
scs
__scs_entry_jumppad:
0x0: {  	(pc) =	sbr.rel $0x88, $3  }
0x1: {  	(tag) =	ssettag $0x0;
	lr =	simm.s32 $0x1  }
0x2: {  	[smem:$0x3F9D] =	sst lr;
	_ =	strace $0xD0000000  }
0x3: {  	_ = 	snop  }
0x4: {  	_ = 	snop  }
0x5: {  	_ = 	snop  }
0x6: {  	_ = 	snop  }
0x7: {  	_ = 	snop  }
__scs_overlays_trampoline_lowered:
0x8: {  	[smem:$0x3FAC] =	sst s0  }
0x9: {  	[smem:$0x3FAD] =	sst s1  }
0xa: {  	[smem:$0x3FAE] =	sst s2  }
0xb: {  	[smem:$0x3FAF] =	sst s3  }
0xc: {  	[smem:$0x3FB0] =	sst s4  }
0xd: {  	[smem:$0x3FB1] =	sst s5  }
0xe: {  	[smem:$0x3FB2] =	sst s6  }
0xf: {  	[smem:$0x3FB3] =	sst s7  }
0x10: {  	[smem:$0x3FB4] =	sst s8  }
0x11: {  	[smem:$0x3FB5] =	sst s9;
	s0 =	simm.s32 @!p0 $0x0  }
0x12: {  	s1 =	sld [smem:$0x3F9B];
	s0 =	simm.s32 @p0 $0x1  }
0x13: {  	[smem:$0x3FB6] =	sst s0;
	s0 =	simm.s32 @!p1 $0x0  }
0x14: {  	s2 =	sld [smem:$0x3F9A];
	s0 =	simm.s32 @p1 $0x1  }
0x15: {  	[smem:$0x3FB7] =	sst s0;
	s0 =	simm.s32 @!p2 $0x0  }
0x16: {  	s3 =	sld [smem:$0x3FDB];
	s0 =	simm.s32 @p2 $0x1  }
0x17: {  	s4 =	simm.s32 $0x1BF5;
	[smem:$0x3FB9] =	sst s0  }
0x18: {  	s0 =	sld [smem:$0x3F9C];
	_ =	swait.ge [sflag:s4], $0x0  }
0x19: {  	s7 =	sld [smem:$0x3F9D]  }
0x1a: {  	s8 =	sadd.s32 $0xFFFFE003, lr  }
0x1b: {  	s9 =	sadd.s32 $0xFFFFFEF7, lr;
	s5 =	simm.s32 $0xFFFFFFFF;
	p2 =	slt.u32 s8, $0xFFFFF086  }
0x1c: {  	p1 =	slt.u32 s9, $0xF7A;
	s5 =	simm.s32 @!p2 $0x0  }
0x1d: {  	s5 =	simm.s32 @p1 $0x1;
	p0 =	seq.s32 s7, s2  }
0x1e: {  	s7 =	smul.u32 @!p0 $0xF7A, s2;
	p2 =	seq.s32 @!p0 s5, $0x0  }
0x1f: {  	s9 =	smul.u32 $0xF7A, s1;
	s8 =	simm.s32 @!p0 $0x1BF5;
	p2 =	por !p2, p0  }
0x20: {  	[sflag:s8] =	ssyncset.s32 @!p0 $0xFFFFF086;
	s6 =	sadd.s32 @!p0 s3, s7;
	s7 =	simm.s32 @!p0 $0x108  }
0x21: {  	s3 =	sadd.s32 s3, s9;
	s6 =	sadd.s32 @!p0 $0x88, s6;
	s7 =	simm.s32 @p2 $0x1082  }
0x22: {  	[simem:s7], [sflag:s8] =	dma.local @!p0 [hbm:s6], $0xF7A  }
0x23: {  	s9 =	sor.u32 $0xD0000000, s2;
	s6 =	simm.s32 $0x108;
	_ =	swait.ge @!p0 [sflag:s8], $0x0  }
0x24: {  	s3 =	sadd.s32 $0x88, s3;
	s6 =	simm.s32 @!p1 $0x1082;
	[sflag:s4] =	ssyncset.s32 $0xFFFFF086  }
0x25: {  	[simem:s6], [sflag:s4] =	dma.local [hbm:s3], $0xF7A  }
0x26: {  	[smem:$0x3F9D] =	sst s1;
	(tag) =	ssettag s2;
	_ =	strace s9  }
0x27: {  	s1 =	sld [smem:$0x3FAD]  }
0x28: {  	s2 =	sld [smem:$0x3FAE]  }
0x29: {  	s4 =	sld [smem:$0x3FB0]  }
0x2a: {  	p0 =	seq.s32 s5, $0x0;
	s5 =	sld [smem:$0x3FB1]  }
0x2b: {  	s6 =	sld [smem:$0x3FB2]  }
0x2c: {  	s7 =	sld [smem:$0x3FB3]  }
0x2d: {  	s3 =	simm.s32 $0x108;
	s8 =	sld [smem:$0x3FB4]  }
0x2e: {  	s3 =	simm.s32 @!p0 $0x1082;
	s9 =	sld [smem:$0x3FB5]  }
0x2f: {  	lr =	sadd.s32 s0, s3;
	s0 =	sld [smem:$0x3FAC]  }
0x30: {  	s3 =	sld [smem:$0x3FAF]  }
0x31: {  	[smem:$0x3FB8] =	sst s10  }
0x32: {  	s10 =	sld [smem:$0x3FB6];
	_ =	sdelay $0x3  }
0x33: {  	p0 =	seq.s32 s10, $0x1;
	s10 =	sld [smem:$0x3FB8];
	_ =	sdelay $0x3  }
0x34: {  	[smem:$0x3FB8] =	sst s10  }
0x35: {  	s10 =	sld [smem:$0x3FB7];
	_ =	sdelay $0x3  }
0x36: {  	p1 =	seq.s32 s10, $0x1;
	s10 =	sld [smem:$0x3FB8];
	_ =	sdelay $0x3  }
0x37: {  	[smem:$0x3FB8] =	sst s10  }
0x38: {  	s10 =	sld [smem:$0x3FB9]  }
0x39: {  	_ = 	snop;
	(pc) =	sbr.ind lr, $3  }
0x3a: {  	_ = 	snop  }
0x3b: {  	_ = 	snop  }
0x3c: {  	p2 =	seq.s32 s10, $0x1;
	s10 =	sld [smem:$0x3FB8]  }
0x3d: {  	_ =	shalt  }
0x3e: {  	_ =	shalt  }
0x3f: {  	_ =	shalt  }
0x40: {  	_ =	shalt  }
0x41: {  	_ =	shalt  }
0x42: {  	_ =	shalt  }
0x43: {  	_ =	shalt  }
0x44: {  	_ =	shalt  }
0x45: {  	_ =	shalt  }
0x46: {  	_ =	shalt  }
0x47: {  	_ =	shalt  }
0x48: {  	_ =	shalt  }
0x49: {  	_ =	shalt  }
0x4a: {  	_ =	shalt  }
0x4b: {  	_ =	shalt  }
0x4c: {  	_ =	shalt  }
0x4d: {  	_ =	shalt  }
0x4e: {  	_ =	shalt  }
0x4f: {  	_ =	shalt  }
0x50: {  	_ =	shalt  }
0x51: {  	_ =	shalt  }
0x52: {  	_ =	shalt  }
0x53: {  	_ =	shalt  }
0x54: {  	_ =	shalt  }
0x55: {  	_ =	shalt  }
0x56: {  	_ =	shalt  }
0x57: {  	_ =	shalt  }
0x58: {  	_ =	shalt  }
0x59: {  	_ =	shalt  }
0x5a: {  	_ =	shalt  }
0x5b: {  	_ =	shalt  }
0x5c: {  	_ =	shalt  }
0x5d: {  	_ =	shalt  }
0x5e: {  	_ =	shalt  }
0x5f: {  	_ =	shalt  }
0x60: {  	_ =	shalt  }
0x61: {  	_ =	shalt  }
0x62: {  	_ =	shalt  }
0x63: {  	_ =	shalt  }
0x64: {  	_ =	shalt  }
0x65: {  	_ =	shalt  }
0x66: {  	_ =	shalt  }
0x67: {  	_ =	shalt  }
0x68: {  	_ =	shalt  }
0x69: {  	_ =	shalt  }
0x6a: {  	_ =	shalt  }
0x6b: {  	_ =	shalt  }
0x6c: {  	_ =	shalt  }
0x6d: {  	_ =	shalt  }
0x6e: {  	_ =	shalt  }
0x6f: {  	_ =	shalt  }
0x70: {  	_ =	shalt  }
0x71: {  	_ =	shalt  }
0x72: {  	_ =	shalt  }
0x73: {  	_ =	shalt  }
0x74: {  	_ =	shalt  }
0x75: {  	_ =	shalt  }
0x76: {  	_ =	shalt  }
0x77: {  	_ =	shalt  }
0x78: {  	_ =	shalt  }
0x79: {  	_ =	shalt  }
0x7a: {  	_ =	shalt  }
0x7b: {  	_ =	shalt  }
0x7c: {  	_ =	shalt  }
0x7d: {  	_ =	shalt  }
0x7e: {  	_ =	shalt  }
0x7f: {  	_ =	shalt  }
0x80: {  	_ =	shalt  }
0x81: {  	_ =	shalt  }
0x82: {  	_ =	shalt  }
0x83: {  	_ =	shalt  }
0x84: {  	_ =	shalt  }
0x85: {  	_ =	shalt  }
0x86: {  	_ =	shalt  }
0x87: {  	_ =	shalt  }
.Lfunc_end0:
.L_simem_size_0:
called_computation.1_lowered:
.L_overlay_start_0:
0x88: {  	s2 =	sld [smem:$0x3FD9]  }
0x89: {  	s3 =	sld [smem:$0x3FFE];
	_ =	sdelay $0x1  }
0x8a: {  	s1 =	srdreg.scid  }
0x8b: {  	s0 =	sand.u32 $0x1, s1  }
0x8c: {  	s14 =	sshll.u32 s0, $0xA;
	s2 =	sadd.s32 s3, s2  }
0x8d: {  	s2 =	sadd.s32 s2, s14  }
0x8e: {  	[smem:$0x3FC4] =	sst s2  }
0x8f: {  	_ = 	snop  }
0x90: {  	s2 =	sld [smem:$0x3FD0];
	_ =	sdelay $0x2  }
0x91: {  	s15 =	simm.s32 $0xA;
	s4 =	simm.s32 $0x10  }
0x92: {  	[smem:s4], [sflag:s15] =	dma.local [hbm:s2], $0x1  }
0x93: {  	_ =	swait.eq [sflag:s15], $0x1  }
0x94: {  	[sflag:s15] =	ssyncset.done $0x0  }
0x95: {  	[sflag:s15] =	ssyncadd.s32 $0xFFFFFFFF  }
0x96: {  	s16 =	sld [smem:$0x10];
	(tm) =	ssettm $0x1  }
0x97: {  	s17 =	sld [smem:$0x3FFB];
	_ =	sdelay $0x3  }
0x98: {  	_ =	strace s17  }
0x99: {  	s3 =	sld [smem:$0x3FFC];
	_ =	sdelay $0x3  }
0x9a: {  	_ =	strace s3  }
0x9b: {  	s3 =	sld [smem:$0x3FFD];
	_ =	sdelay $0x3  }
0x9c: {  	_ =	strace s3  }
0x9d: {  	_ =	strace $0x8FFFFFFF  }
0x9e: {  	s18 =	sld [smem:$0x3FDB];
	_ =	sdelay $0x1  }
0x9f: {  	s19 =	simm.s32 $_scs_section_size  }
0xa0: {  	s5 =	simm.s32 $_size__tile_overlayer_lowered;
	s6 =	simm.s32 $_tile_overlayer_lowered  }
0xa1: {  	s22 =	simm.s32 $0x1BFF;
	s21 =	sshll.u32 s6, $0x1;
	s3 =	sadd.s32 s19, s18  }
0xa2: {  	s7 =	simm.s32 $0x0;
	s20 =	sshll.u32 s5, $0x1;
	s5 =	sadd.s32 s21, s3  }
0xa3: {  	[timem:s7], [sflag:s22] =	dma.local [hbm:s5], s20  }
0xa4: {  	_ =	swait.ge [sflag:s22], s20  }
0xa5: {  	s4 =	ssub.s32 $0x0, s20;
	[sflag:s22] =	ssyncset.done $0x0  }
0xa6: {  	[sflag:s22] =	ssyncadd.s32 s4;
	_ =	sdelay $0x1  }
0xa7: {  	s23 =	simm.s32 $0x1B8B  }
0xa8: {  	_ =	swait.ge [sflag:s23], $0x1  }
0xa9: {  	[sflag:s23] =	ssyncset.done $0x0  }
0xaa: {  	s25 =	simm.s32 $0x1B8E;
	s24 =	sld [smem:$0x3FFE];
	[sflag:s23] =	ssyncadd.s32 $0xFFFFFFFF  }
0xab: {  	s26 =	simm.s32 $execute0_lowered;
	[smem:$0x3FD2] =	sst s25  }
0xac: {  	s5 =	sshll.u32 s26, $0x1;
	_ =	strace $0x80000046;
	[dreg:$0x1] =	wrdreg $0xFFFFFFFF  }
0xad: {  	s28 =	simm.s32 $_size_execute0_lowered;
	s3 =	sadd.s32 s3, s5;
	[dreg:$0x0] =	wrdreg $0x0  }
0xae: {  	s5 =	sshll.u32 s28, $0x1;
	[dreg:$0x2] =	wrdreg s3  }
0xaf: {  	[dreg:$0x3] =	wrdreg s5  }
0xb0: {  	[dreg:$0x4] =	wrdreg $0xC0  }
0xb1: {  	_ =	task [dreg:s7], $0x5FFFF  }
0xb2: {  	[dreg:$0x1] =	wrdreg $0xFFFFFFFF  }
0xb3: {  	[dreg:$0x0] =	wrdreg $0x60  }
0xb4: {  	[dreg:$0x2] =	wrdreg s24  }
0xb5: {  	[dreg:$0x3] =	wrdreg s16  }
0xb6: {  	[dreg:$0x4] =	wrdreg $0x56800  }
0xb7: {  	[dreg:$0x5] =	wrdreg $0x9  }
0xb8: {  	_ =	task.clear_ibuf [dreg:s7], $0x6FFFF;
	_ =	strace $0x90000046  }
0xb9: {  	s29 =	simm.s32 $0x9;
	_ =	strace $0x80000048  }
0xba: {  	_ =	swait.ge [sflag:s29], $0x1  }
0xbb: {  	[sflag:s29] =	ssyncadd.s32 $0xFFFFFFFF  }
0xbc: {  	_ =	strace $0x90000048  }
0xbd: {  	_ =	sfence  }
0xbe: {  	s30 =	sld [smem:$0x0];
	_ =	sdelay $0x2  }
0xbf: {  	s31 =	sshll.u32 s1, $0xD;
	s1 =	sshrl.u32 s1, $0x2  }
0xc0: {  	s3 =	sand.u32 $0x4000, s31;
	s1 =	sadd.s32 s1, s30  }
0xc1: {  	s0 =	sor.u32 s3, s0;
	s1 =	sshll.u32 s1, $0x11  }
0xc2: {  	s0 =	sor.u32 s1, s0  }
0xc3: {  	s0 =	sadd.s32 $0x8F2B, s0  }
0xc4: {  	[sflag:s0] =	ssyncadd.remote.s32 $0x1  }
0xc5: {  	_ =	sfence.sel $0xFFFF  }
0xc6: {  	[dreg:$0x0] =	wrdreg $0xFFFFFFFF;
	(pc) =	sbr.abs _section_cstart, $3  }
0xc7: {  	[dreg:$0x1] =	wrdreg $0xFFFFFFFF  }
0xc8: {  	_ =	task.clear_ibuf [dreg:s7], $0x2FFFF;
	_ =	strace $0x9FFFFFFF  }
0xc9: {  	(tm) =	ssettm $0x7FFFFFFF  }
tec
execute0_lowered:
.L_overlay_start_1:
0x0: {  	(tag) =	ssettag $0x1  }
0x1: {  	s6 =	rddreg [dreg:$0x0]  }
0x2: {  	s2 =	rddreg [dreg:$0x1]  }
0x3: {  	s3 =	rddreg [dreg:$0x2]  }
0x4: {  	s0 =	rddreg [dreg:$0x3];
	s1 =	stileid.u32  }
0x5: {  	s4 =	simm.s32 $0x0;
	s7 =	srdreg.scid;
	s12 =	simm.s32 $0x4E80  }
0x6: {  	s15 =	simm.s32 $0x0;
	s5 =	smul.u32 $0x9D0, s1;
	[smem:$0x7FF] =	sst s4  }
0x7: {  	s8 =	smul.u32 $0x2800, s1;
	s13 =	sand.u32 $0x1, s7;
	s31 =	sshll.u32 s1, $0x6  }
0x8: {  	_ =	strace $0x80000047;
	s9 =	ssub.s32 $0x2, s13;
	p0 =	sne.s32 s13, $0x0  }
0x9: {  	s13 =	simm.s32 $0x80;
	s30 =	sadd.s32 s5, s6;
	s5 =	sadd.s32 $0xB800, s6  }
0xa: {  	s10 =	sshrl.u32 s8, $0x3;
	s11 =	sshrl.u32 s9, $0x1;
	s14 =	sadd.s32 s8, s3  }
0xb: {  	s10 =	sadd.s32 s10, s6;
	s9 =	ssub.s32 s9, s11;
	s6 =	sor.u32 $0x1C01, s31  }
0xc: {  	s7 =	sadd.s32 $0x1A00, s30;
	s11 =	simm.s32 $0x1;
	s8 =	sadd.s32 $0xBA00, s10  }
0xd: {  	s9 =	smax.u32 s9, $0x1;
	s10 =	sshrl.u32 s14, $0x3;
	s14 =	sshrl.u32 @!p0 s14, $0x3  }
.LBB2_1:
0xe: {  	[spmem:s10], [sflag:s6] =	dma.local [hbm:s2], $0x500  }
0xf: {  	_ =	swait.ge [sflag:s11], $0x500  }
0x10: {  	[sflag:s11] =	ssyncset.done $0x0  }
0x11: {  	[sflag:s11] =	ssyncadd.s32 $0xFFFFFB00  }
0x12: {  	[tilespmem:s4], [sflag:$0x1] =	stream.linear.gather [hbm4b:s7+s4], $0x4E80, $0x38;
	[tilespmem:$0x7E80] =	vst v63  }
0x13: {  	_ =	swait.ge [sflag:s11], $0x4E80  }
0x14: {  	[sflag:s11] =	ssyncset.done $0x0  }
0x15: {  	[sflag:s11] =	ssyncadd.s32 $0xFFFFB180  }
0x16: {  	[tilespmem:s12], [sflag:$0x1] =	stream.linear.gather [hbm4b:s5+s4], $0x800, $0x38;
	[tilespmem:$0x7E80] =	vst v63  }
0x17: {  	_ =	swait.ge [sflag:s11], $0x800  }
0x18: {  	[sflag:s11] =	ssyncset.done $0x0  }
0x19: {  	[sflag:s11] =	ssyncadd.s32 $0xFFFFF800  }
0x1a: {  	s16 =	simm.s32 $0x0;
	[bflag:$0x0] =	sbarrier.arrive $0xFFFF  }
0x1b: {  	[spmem:s3] =	stream.indirect.scatter.add.f32 [tilespmem:s12], [sflag:$0x1], $0x10, s16, s13, $0xb8;
	[tilespmem:$0x7E80] =	vst v63  }
0x1c: {  	_ =	swait.ge [sflag:s11], $0x800  }
0x1d: {  	s16 =	simm.s32 $0x200;
	[sflag:s11] =	ssyncset.done $0x0  }
.LBB2_2:
0x1e: {  	s17 =	sshra.s32 s16, $0x2;
	[sflag:s11] =	ssyncadd.s32 $0xFFFFF800;
	p1 =	sne.s32 s16, $0x13800  }
0x1f: {  	[spmem:s3] =	stream.indirect.scatter.add.f32 [tilespmem:s12], [sflag:$0x1], $0x10, s17, s13, $0xb8;
	[tilespmem:$0x7E80] =	vst v63  }
.Ltmp0:
0x20: {  	_ = 	snop;
	(pc) =	sbr.rel @p1 .LBB2_2-.Ltmp0, $4  }
0x21: {  	_ = 	snop  }
0x22: {  	s16 =	sadd.s32 $0x200, s16  }
0x23: {  	_ =	swait.ge [sflag:s11], $0x800  }
0x24: {  	[sflag:s11] =	ssyncset.done $0x0  }
0x25: {  	s15 =	sadd.s32 $0x1, s15  }
0x26: {  	[sflag:s11] =	ssyncadd.s32 $0xFFFFF800;
	p1 =	sne.s32 s15, s9  }
.Ltmp1:
0x27: {  	s16 =	simm.s32 @!p0 $0x1;
	[bflag:$0x0] =	sbarrier.arrive $0xFFFF;
	(pc) =	sbr.rel @p1 .LBB2_1-.Ltmp1, $4  }
0x28: {  	[hbm:s8], [sflag:s6] =	dma.local @!p0 [spmem:s14], $0x500  }
0x29: {  	_ =	swait.ge @!p0 [sflag:s16], $0x500  }
0x2a: {  	[sflag:s16] =	ssyncset.done @!p0 $0x0  }
0x2b: {  	[sflag:s16] =	ssyncadd.s32 @!p0 $0xFFFFFB00  }
0x2c: {  	_ =	sfence.sel $0x180000  }
0x2d: {  	[bflag:$0x0] =	sbarrier.arrive $0xFFFF  }
0x2e: {  	p0 =	sne.s32 s1, $0x0;
	_ =	strace $0x90000047  }
0x2f: {  	s0 =	sadd.s32 @!p0 $0x100000, s0;
	[bflag:$0x2] =	sbarrier.arrive $0xFFFF  }
0x30: {  	[sflag:s0] =	ssyncadd.tile.s32 @!p0 $0x1;
	_ =	shalt  }
.Lfunc_end2:
_tile_overlayer_lowered:
.L_overlay_start_2:
0x31: {  	(tag) =	ssettag $0x2  }
0x32: {  	s0 =	rddreg [dreg:$0x0];
	s2 =	stileid.u32  }
0x33: {  	s1 =	rddreg [dreg:$0x1];
	p0 =	sne.s32 s2, $0x0  }
0x34: {  	s3 =	rddreg [dreg:$0x2];
	[bflag:$0x3] =	sbarrier.arrive $0xFFFF;
	s2 =	simm.s32 @!p0 $0x1C01  }
0x35: {  	[timem:s3], [sflag:s2] =	dma.local @!p0 [hbm:s0], s1  }
0x36: {  	s0 =	simm.s32 @!p0 $0x1  }
0x37: {  	_ =	swait.ge @!p0 [sflag:s0], s1  }
0x38: {  	s1 =	ssub.s32 @!p0 $0x0, s1;
	[sflag:s0] =	ssyncset.done @!p0 $0x0  }
0x39: {  	[sflag:s0] =	ssyncadd.s32 @!p0 s1  }
0x3a: {  	[bflag:$0x3] =	sbarrier.arrive $0xFFFF  }
0x3b: {  	_ =	shalt  }

</sc_bundles>
